<compile_context>
chip_gen: v7x
topology: tpu7x:2x2x1
jax: 0.10.2.dev20260603
libtpu: 0.0.44.dev20260713+nightly
codegen_flags: <defaults>
</compile_context>

<pallas_src>
import functools

import jax
import jax.numpy as jnp
from jax import lax
from jax.experimental import pallas as pl
from jax.experimental.pallas import tpu as pltpu
from jax.experimental.pallas import tpu_sc as plsc

B = 4096
L = 200
HID = 64
NROWS = B * L

NC = 2
NS = 16
NW = NC * NS

ROWS_W = NROWS // NW
CH = L
NCH = ROWS_W // CH
M = 40
SUB = CH // M
NBUF = 4
IDXR_W = ROWS_W // M

_mesh = plsc.VectorSubcoreMesh(core_axis_name="c", subcore_axis_name="s")


@functools.partial(
    pl.kernel,
    mesh=_mesh,
    compiler_params=pltpu.CompilerParams(use_tc_tiling_on_sc=False),
    out_type=jax.ShapeDtypeStruct((NROWS, HID), jnp.float32),
    scratch_types=[
        pltpu.VMEM((IDXR_W, M), jnp.int32),
        pltpu.VMEM((L, HID), jnp.float32),
        pltpu.VMEM((CH, HID), jnp.float32),
        pltpu.VMEM((CH, HID), jnp.float32),
        pltpu.VMEM((CH, HID), jnp.float32),
        pltpu.VMEM((CH, HID), jnp.float32),
        pltpu.SemaphoreType.DMA,
        pltpu.SemaphoreType.DMA,
        pltpu.SemaphoreType.DMA,
        pltpu.SemaphoreType.DMA,
        pltpu.SemaphoreType.DMA,
        pltpu.SemaphoreType.DMA,
        pltpu.SemaphoreType.DMA,
        pltpu.SemaphoreType.DMA,
    ],
)
def _emb_kernel(x_hbm, tok_hbm, pos_hbm, out_hbm,
                idx_v, pos_v,
                buf0, buf1, buf2, buf3,
                sg0, sg1, sg2, sg3,
                ss0, ss1, ss2, ss3):
    bufs = (buf0, buf1, buf2, buf3)
    sgs = (sg0, sg1, sg2, sg3)
    sss = (ss0, ss1, ss2, ss3)

    wid = lax.axis_index("s") * NC + lax.axis_index("c")
    idx_row0 = wid * IDXR_W
    out_row0 = wid * ROWS_W

    pltpu.sync_copy(x_hbm.at[pl.ds(idx_row0, IDXR_W)], idx_v)
    pltpu.sync_copy(pos_hbm.at[pl.ds(0, L)], pos_v)

    def issue_gather(g, b):
        for j in range(SUB):
            pltpu.async_copy(
                tok_hbm.at[idx_v.at[g * SUB + j]],
                bufs[b].at[pl.ds(j * M, M)],
                sgs[b],
            )

    def wait_gather(b):
        pltpu.make_async_copy(
            out_hbm.at[pl.ds(0, CH)], bufs[b], sgs[b]
        ).wait()

    def issue_store(g, b):
        pltpu.async_copy(
            bufs[b], out_hbm.at[pl.ds(out_row0 + g * CH, CH)], sss[b]
        )

    def wait_store(b):
        pltpu.make_async_copy(
            bufs[b], out_hbm.at[pl.ds(0, CH)], sss[b]
        ).wait()

    def add_pos(b):
        buf = bufs[b]

        def body(i, carry):
            l0 = i * 4
            for r in range(4):
                for k in range(HID // 16):
                    sl = pl.ds(k * 16, 16)
                    plsc.addupdate(buf.at[l0 + r, sl], pos_v[l0 + r, sl])
            return carry

        lax.fori_loop(0, CH // 4, body, 0)

    for b in range(NBUF - 1):
        issue_gather(b, b)

    def chunk_iter(t, carry):
        for b in range(NBUF):
            g = t * NBUF + b
            wait_gather(b)
            add_pos(b)
            issue_store(g, b)
            nb = (b + NBUF - 1) % NBUF

            if b == 0:
                @pl.when(t > 0)
                def _():
                    wait_store(nb)

                issue_gather(g + NBUF - 1, nb)
            else:
                @pl.when(t < NCH // NBUF - 1)
                def _():
                    wait_store(nb)
                    issue_gather(g + NBUF - 1, nb)
        return carry

    lax.fori_loop(0, NCH // NBUF, chunk_iter, 0)

    for b in range(NBUF):
        wait_store(b)


def kernel(x, token_table, pos_table):
    x2d = x.astype(jnp.int32).reshape(NROWS // M, M)
    out = _emb_kernel(x2d, token_table, pos_table)
    return out.reshape(B, L, HID)

# --- scband reference (transcript-rebuilt; emitter-appended) ---
"""Pipeline reference for scband-custom-embeddings-979252543830 (READ-ONLY COPY).

The authoritative reference and input builder live on the scoring server;
editing this copy changes nothing except your own understanding.
"""

import jax, jax.numpy as jnp
import numpy as np

VOCAB = 1000000
HID = 64
MAX_LEN = 512
B = 4096
L = 200

def setup_inputs(seed: int = 0) -> dict:
    key = jax.random.key(seed)
    k1, k2, k3 = jax.random.split(key, 3)
    x = jax.random.randint(k1, (B, L), 0, VOCAB, dtype=jnp.int64) if jax.config.jax_enable_x64 else jax.random.randint(k1, (B, L), 0, VOCAB, dtype=jnp.int32)
    token_table = jax.random.normal(k2, (VOCAB, HID), dtype=jnp.float32) * 0.02
    pos_table = jax.random.normal(k3, (MAX_LEN, HID), dtype=jnp.float32) * 0.02
    return {"x": x, "token_table": token_table, "pos_table": pos_table}

def reference(x, token_table, pos_table):
    # positions = arange(seq_len).unsqueeze(0)
    positions = jnp.arange(x.shape[1])[None, :]
    # token_embedding(x) + position_embedding(positions)  (broadcast over batch)
    tok = jnp.take(token_table, x, axis=0)            # [B, L, HID]
    pos = jnp.take(pos_table, positions, axis=0)      # [1, L, HID]
    embeddings = tok + pos
    # dropout is identity in eval / deterministic mode
    return embeddings

if __name__ == "__main__":
    import jax
    _d = setup_inputs()
    print(jax.jit(kernel)(*tuple(_d.values())))

</pallas_src>

<mosaic_0001>
#map = affine_map<(d0, d1) -> (0, 0)>
module attributes {stable_mosaic.version = 14 : i64} {
  func.func @_emb_kernel(%arg0: i32, %arg1: i32, %arg2: memref<20480x40xi32, #tpu.memory_space<hbm>>, %arg3: memref<1000000x64xf32, #tpu.memory_space<hbm>>, %arg4: memref<512x64xf32, #tpu.memory_space<hbm>>, %arg5: memref<819200x64xf32, #tpu.memory_space<hbm>>, %arg6: memref<640x40xi32, #tpu.memory_space<vmem>>, %arg7: memref<200x64xf32, #tpu.memory_space<vmem>>, %arg8: memref<200x64xf32, #tpu.memory_space<vmem>>, %arg9: memref<200x64xf32, #tpu.memory_space<vmem>>, %arg10: memref<200x64xf32, #tpu.memory_space<vmem>>, %arg11: memref<200x64xf32, #tpu.memory_space<vmem>>, %arg12: memref<!tpu.dma_semaphore, #tpu.memory_space<semaphore_mem>>, %arg13: memref<!tpu.dma_semaphore, #tpu.memory_space<semaphore_mem>>, %arg14: memref<!tpu.dma_semaphore, #tpu.memory_space<semaphore_mem>>, %arg15: memref<!tpu.dma_semaphore, #tpu.memory_space<semaphore_mem>>, %arg16: memref<!tpu.dma_semaphore, #tpu.memory_space<semaphore_mem>>, %arg17: memref<!tpu.dma_semaphore, #tpu.memory_space<semaphore_mem>>, %arg18: memref<!tpu.dma_semaphore, #tpu.memory_space<semaphore_mem>>, %arg19: memref<!tpu.dma_semaphore, #tpu.memory_space<semaphore_mem>>) attributes {dimension_semantics = [#tpu.dimension_semantics<core_parallel>, #tpu.dimension_semantics<subcore_parallel>], iteration_bounds = array<i64: 2, 16>, scalar_prefetch = 0 : i64, scratch_operands = 14 : i64, tpu.core_type = #tpu.core_type<sc_vector_subcore>, window_params = [{transform_indices = #map}, {transform_indices = #map}, {transform_indices = #map}, {transform_indices = #map}]} {
    %mul3A = arith.constant 2 : i32
    %mul3A_0 = arith.muli %arg1, %mul3A : i32
    %add3A = arith.addi %mul3A_0, %arg0 : i32
    %mul3A_1 = arith.constant 640 : i32
    %mul3A_2 = arith.muli %add3A, %mul3A_1 : i32
    %mul3A_3 = arith.constant 25600 : i32
    %mul3A_4 = arith.muli %add3A, %mul3A_3 : i32
    "tpu.region"() ({
      %run_scoped3A = tpu.sem_alloc : memref<!tpu.dma_semaphore, #tpu.memory_space<semaphore_mem>>
      %dma_start3A_182 = arith.constant 0 : i32
      %dma_start3A_183 = tpu.memref_slice %arg2[%mul3A_2, %dma_start3A_182] : memref<20480x40xi32, #tpu.memory_space<hbm>> -> memref<640x40xi32, #tpu.memory_space<hbm>>
      %dma_start3A_184 = arith.constant 0 : i32
      %dma_start3A_185 = tpu.memref_slice %arg2[%mul3A_2, %dma_start3A_184] : memref<20480x40xi32, #tpu.memory_space<hbm>> -> memref<640x40xi32, #tpu.memory_space<hbm>>
      tpu.enqueue_dma source(%dma_start3A_185 : memref<640x40xi32, #tpu.memory_space<hbm>>) target(%arg6 : memref<640x40xi32, #tpu.memory_space<vmem>>) target_semaphore(%run_scoped3A : memref<!tpu.dma_semaphore, #tpu.memory_space<semaphore_mem>>)
      %dma_wait3A_186 = arith.constant 0 : i32
      %dma_wait3A_187 = tpu.memref_slice %arg2[%mul3A_2, %dma_wait3A_186] : memref<20480x40xi32, #tpu.memory_space<hbm>> -> memref<640x40xi32, #tpu.memory_space<hbm>>
      %dma_wait3A_188 = arith.constant 0 : i32
      %dma_wait3A_189 = tpu.memref_slice %arg2[%mul3A_2, %dma_wait3A_188] : memref<20480x40xi32, #tpu.memory_space<hbm>> -> memref<640x40xi32, #tpu.memory_space<hbm>>
      tpu.wait_dma2 semaphore(%run_scoped3A : memref<!tpu.dma_semaphore, #tpu.memory_space<semaphore_mem>>) src(%dma_wait3A_189 : memref<640x40xi32, #tpu.memory_space<hbm>>) dst(%arg6 : memref<640x40xi32, #tpu.memory_space<vmem>>)
      tpu.yield
    }) : () -> ()
    "tpu.region"() ({
      %run_scoped3A = tpu.sem_alloc : memref<!tpu.dma_semaphore, #tpu.memory_space<semaphore_mem>>
      %dma_start3A_182 = arith.constant 0 : i32
      %dma_start3A_183 = arith.constant 0 : i32
      %dma_start3A_184 = tpu.memref_slice %arg4[%dma_start3A_182, %dma_start3A_183] : memref<512x64xf32, #tpu.memory_space<hbm>> -> memref<200x64xf32, #tpu.memory_space<hbm>>
      %dma_start3A_185 = arith.constant 0 : i32
      %dma_start3A_186 = arith.constant 0 : i32
      %dma_start3A_187 = tpu.memref_slice %arg4[%dma_start3A_185, %dma_start3A_186] : memref<512x64xf32, #tpu.memory_space<hbm>> -> memref<200x64xf32, #tpu.memory_space<hbm>>
      tpu.enqueue_dma source(%dma_start3A_187 : memref<200x64xf32, #tpu.memory_space<hbm>>) target(%arg7 : memref<200x64xf32, #tpu.memory_space<vmem>>) target_semaphore(%run_scoped3A : memref<!tpu.dma_semaphore, #tpu.memory_space<semaphore_mem>>)
      %dma_wait3A_188 = arith.constant 0 : i32
      %dma_wait3A_189 = arith.constant 0 : i32
      %dma_wait3A_190 = tpu.memref_slice %arg4[%dma_wait3A_188, %dma_wait3A_189] : memref<512x64xf32, #tpu.memory_space<hbm>> -> memref<200x64xf32, #tpu.memory_space<hbm>>
      %dma_wait3A_191 = arith.constant 0 : i32
      %dma_wait3A_192 = arith.constant 0 : i32
      %dma_wait3A_193 = tpu.memref_slice %arg4[%dma_wait3A_191, %dma_wait3A_192] : memref<512x64xf32, #tpu.memory_space<hbm>> -> memref<200x64xf32, #tpu.memory_space<hbm>>
      tpu.wait_dma2 semaphore(%run_scoped3A : memref<!tpu.dma_semaphore, #tpu.memory_space<semaphore_mem>>) src(%dma_wait3A_193 : memref<200x64xf32, #tpu.memory_space<hbm>>) dst(%arg7 : memref<200x64xf32, #tpu.memory_space<vmem>>)
      tpu.yield
    }) : () -> ()
    %dma_start3A = arith.constant 0 : i32
    %dma_start3A_5 = arith.constant 0 : i32
    %dma_start3A_6 = arith.constant 0 : i32
    %dma_start3A_7 = tpu.memref_slice %arg8[%dma_start3A_5, %dma_start3A_6] : memref<200x64xf32, #tpu.memory_space<vmem>> -> memref<40x64xf32, #tpu.memory_space<vmem>>
    %dma_start3A_8 = arith.constant 0 : i32
    %dma_start3A_9 = tpu.memref_slice %arg6[%dma_start3A, %dma_start3A_8] : memref<640x40xi32, #tpu.memory_space<vmem>> -> memref<1x40xi32, #tpu.memory_space<vmem>>
    %dma_start3A_10 = tpu.memref_squeeze %dma_start3A_9 : memref<1x40xi32, #tpu.memory_space<vmem>> -> memref<40xi32, #tpu.memory_space<vmem>>
    %dma_start3A_11 = arith.constant 0 : i32
    %dma_start3A_12 = arith.constant 0 : i32
    %dma_start3A_13 = tpu.memref_slice %arg3[%dma_start3A_11, %dma_start3A_12] : memref<1000000x64xf32, #tpu.memory_space<hbm>> -> memref<1000000x64xf32, #tpu.memory_space<hbm>>
    tpu.enqueue_indirect_dma source(%dma_start3A_13 : memref<1000000x64xf32, #tpu.memory_space<hbm>>) target(%dma_start3A_7 : memref<40x64xf32, #tpu.memory_space<vmem>>) offsets(%dma_start3A_10 : memref<40xi32, #tpu.memory_space<vmem>>) semaphore(%arg12 : memref<!tpu.dma_semaphore, #tpu.memory_space<semaphore_mem>>)
    %dma_start3A_14 = arith.constant 1 : i32
    %dma_start3A_15 = arith.constant 40 : i32
    %dma_start3A_16 = arith.constant 0 : i32
    %dma_start3A_17 = tpu.memref_slice %arg8[%dma_start3A_15, %dma_start3A_16] : memref<200x64xf32, #tpu.memory_space<vmem>> -> memref<40x64xf32, #tpu.memory_space<vmem>>
    %dma_start3A_18 = arith.constant 0 : i32
    %dma_start3A_19 = tpu.memref_slice %arg6[%dma_start3A_14, %dma_start3A_18] : memref<640x40xi32, #tpu.memory_space<vmem>> -> memref<1x40xi32, #tpu.memory_space<vmem>>
    %dma_start3A_20 = tpu.memref_squeeze %dma_start3A_19 : memref<1x40xi32, #tpu.memory_space<vmem>> -> memref<40xi32, #tpu.memory_space<vmem>>
    %dma_start3A_21 = arith.constant 0 : i32
    %dma_start3A_22 = arith.constant 0 : i32
    %dma_start3A_23 = tpu.memref_slice %arg3[%dma_start3A_21, %dma_start3A_22] : memref<1000000x64xf32, #tpu.memory_space<hbm>> -> memref<1000000x64xf32, #tpu.memory_space<hbm>>
    tpu.enqueue_indirect_dma source(%dma_start3A_23 : memref<1000000x64xf32, #tpu.memory_space<hbm>>) target(%dma_start3A_17 : memref<40x64xf32, #tpu.memory_space<vmem>>) offsets(%dma_start3A_20 : memref<40xi32, #tpu.memory_space<vmem>>) semaphore(%arg12 : memref<!tpu.dma_semaphore, #tpu.memory_space<semaphore_mem>>)
    %dma_start3A_24 = arith.constant 2 : i32
    %dma_start3A_25 = arith.constant 80 : i32
    %dma_start3A_26 = arith.constant 0 : i32
    %dma_start3A_27 = tpu.memref_slice %arg8[%dma_start3A_25, %dma_start3A_26] : memref<200x64xf32, #tpu.memory_space<vmem>> -> memref<40x64xf32, #tpu.memory_space<vmem>>
    %dma_start3A_28 = arith.constant 0 : i32
    %dma_start3A_29 = tpu.memref_slice %arg6[%dma_start3A_24, %dma_start3A_28] : memref<640x40xi32, #tpu.memory_space<vmem>> -> memref<1x40xi32, #tpu.memory_space<vmem>>
    %dma_start3A_30 = tpu.memref_squeeze %dma_start3A_29 : memref<1x40xi32, #tpu.memory_space<vmem>> -> memref<40xi32, #tpu.memory_space<vmem>>
    %dma_start3A_31 = arith.constant 0 : i32
    %dma_start3A_32 = arith.constant 0 : i32
    %dma_start3A_33 = tpu.memref_slice %arg3[%dma_start3A_31, %dma_start3A_32] : memref<1000000x64xf32, #tpu.memory_space<hbm>> -> memref<1000000x64xf32, #tpu.memory_space<hbm>>
    tpu.enqueue_indirect_dma source(%dma_start3A_33 : memref<1000000x64xf32, #tpu.memory_space<hbm>>) target(%dma_start3A_27 : memref<40x64xf32, #tpu.memory_space<vmem>>) offsets(%dma_start3A_30 : memref<40xi32, #tpu.memory_space<vmem>>) semaphore(%arg12 : memref<!tpu.dma_semaphore, #tpu.memory_space<semaphore_mem>>)
    %dma_start3A_34 = arith.constant 3 : i32
    %dma_start3A_35 = arith.constant 120 : i32
    %dma_start3A_36 = arith.constant 0 : i32
    %dma_start3A_37 = tpu.memref_slice %arg8[%dma_start3A_35, %dma_start3A_36] : memref<200x64xf32, #tpu.memory_space<vmem>> -> memref<40x64xf32, #tpu.memory_space<vmem>>
    %dma_start3A_38 = arith.constant 0 : i32
    %dma_start3A_39 = tpu.memref_slice %arg6[%dma_start3A_34, %dma_start3A_38] : memref<640x40xi32, #tpu.memory_space<vmem>> -> memref<1x40xi32, #tpu.memory_space<vmem>>
    %dma_start3A_40 = tpu.memref_squeeze %dma_start3A_39 : memref<1x40xi32, #tpu.memory_space<vmem>> -> memref<40xi32, #tpu.memory_space<vmem>>
    %dma_start3A_41 = arith.constant 0 : i32
    %dma_start3A_42 = arith.constant 0 : i32
    %dma_start3A_43 = tpu.memref_slice %arg3[%dma_start3A_41, %dma_start3A_42] : memref<1000000x64xf32, #tpu.memory_space<hbm>> -> memref<1000000x64xf32, #tpu.memory_space<hbm>>
    tpu.enqueue_indirect_dma source(%dma_start3A_43 : memref<1000000x64xf32, #tpu.memory_space<hbm>>) target(%dma_start3A_37 : memref<40x64xf32, #tpu.memory_space<vmem>>) offsets(%dma_start3A_40 : memref<40xi32, #tpu.memory_space<vmem>>) semaphore(%arg12 : memref<!tpu.dma_semaphore, #tpu.memory_space<semaphore_mem>>)
    %dma_start3A_44 = arith.constant 4 : i32
    %dma_start3A_45 = arith.constant 160 : i32
    %dma_start3A_46 = arith.constant 0 : i32
    %dma_start3A_47 = tpu.memref_slice %arg8[%dma_start3A_45, %dma_start3A_46] : memref<200x64xf32, #tpu.memory_space<vmem>> -> memref<40x64xf32, #tpu.memory_space<vmem>>
    %dma_start3A_48 = arith.constant 0 : i32
    %dma_start3A_49 = tpu.memref_slice %arg6[%dma_start3A_44, %dma_start3A_48] : memref<640x40xi32, #tpu.memory_space<vmem>> -> memref<1x40xi32, #tpu.memory_space<vmem>>
    %dma_start3A_50 = tpu.memref_squeeze %dma_start3A_49 : memref<1x40xi32, #tpu.memory_space<vmem>> -> memref<40xi32, #tpu.memory_space<vmem>>
    %dma_start3A_51 = arith.constant 0 : i32
    %dma_start3A_52 = arith.constant 0 : i32
    %dma_start3A_53 = tpu.memref_slice %arg3[%dma_start3A_51, %dma_start3A_52] : memref<1000000x64xf32, #tpu.memory_space<hbm>> -> memref<1000000x64xf32, #tpu.memory_space<hbm>>
    tpu.enqueue_indirect_dma source(%dma_start3A_53 : memref<1000000x64xf32, #tpu.memory_space<hbm>>) target(%dma_start3A_47 : memref<40x64xf32, #tpu.memory_space<vmem>>) offsets(%dma_start3A_50 : memref<40xi32, #tpu.memory_space<vmem>>) semaphore(%arg12 : memref<!tpu.dma_semaphore, #tpu.memory_space<semaphore_mem>>)
    %dma_start3A_54 = arith.constant 5 : i32
    %dma_start3A_55 = arith.constant 0 : i32
    %dma_start3A_56 = arith.constant 0 : i32
    %dma_start3A_57 = tpu.memref_slice %arg9[%dma_start3A_55, %dma_start3A_56] : memref<200x64xf32, #tpu.memory_space<vmem>> -> memref<40x64xf32, #tpu.memory_space<vmem>>
    %dma_start3A_58 = arith.constant 0 : i32
    %dma_start3A_59 = tpu.memref_slice %arg6[%dma_start3A_54, %dma_start3A_58] : memref<640x40xi32, #tpu.memory_space<vmem>> -> memref<1x40xi32, #tpu.memory_space<vmem>>
    %dma_start3A_60 = tpu.memref_squeeze %dma_start3A_59 : memref<1x40xi32, #tpu.memory_space<vmem>> -> memref<40xi32, #tpu.memory_space<vmem>>
    %dma_start3A_61 = arith.constant 0 : i32
    %dma_start3A_62 = arith.constant 0 : i32
    %dma_start3A_63 = tpu.memref_slice %arg3[%dma_start3A_61, %dma_start3A_62] : memref<1000000x64xf32, #tpu.memory_space<hbm>> -> memref<1000000x64xf32, #tpu.memory_space<hbm>>
    tpu.enqueue_indirect_dma source(%dma_start3A_63 : memref<1000000x64xf32, #tpu.memory_space<hbm>>) target(%dma_start3A_57 : memref<40x64xf32, #tpu.memory_space<vmem>>) offsets(%dma_start3A_60 : memref<40xi32, #tpu.memory_space<vmem>>) semaphore(%arg13 : memref<!tpu.dma_semaphore, #tpu.memory_space<semaphore_mem>>)
    %dma_start3A_64 = arith.constant 6 : i32
    %dma_start3A_65 = arith.constant 40 : i32
    %dma_start3A_66 = arith.constant 0 : i32
    %dma_start3A_67 = tpu.memref_slice %arg9[%dma_start3A_65, %dma_start3A_66] : memref<200x64xf32, #tpu.memory_space<vmem>> -> memref<40x64xf32, #tpu.memory_space<vmem>>
    %dma_start3A_68 = arith.constant 0 : i32
    %dma_start3A_69 = tpu.memref_slice %arg6[%dma_start3A_64, %dma_start3A_68] : memref<640x40xi32, #tpu.memory_space<vmem>> -> memref<1x40xi32, #tpu.memory_space<vmem>>
    %dma_start3A_70 = tpu.memref_squeeze %dma_start3A_69 : memref<1x40xi32, #tpu.memory_space<vmem>> -> memref<40xi32, #tpu.memory_space<vmem>>
    %dma_start3A_71 = arith.constant 0 : i32
    %dma_start3A_72 = arith.constant 0 : i32
    %dma_start3A_73 = tpu.memref_slice %arg3[%dma_start3A_71, %dma_start3A_72] : memref<1000000x64xf32, #tpu.memory_space<hbm>> -> memref<1000000x64xf32, #tpu.memory_space<hbm>>
    tpu.enqueue_indirect_dma source(%dma_start3A_73 : memref<1000000x64xf32, #tpu.memory_space<hbm>>) target(%dma_start3A_67 : memref<40x64xf32, #tpu.memory_space<vmem>>) offsets(%dma_start3A_70 : memref<40xi32, #tpu.memory_space<vmem>>) semaphore(%arg13 : memref<!tpu.dma_semaphore, #tpu.memory_space<semaphore_mem>>)
    %dma_start3A_74 = arith.constant 7 : i32
    %dma_start3A_75 = arith.constant 80 : i32
    %dma_start3A_76 = arith.constant 0 : i32
    %dma_start3A_77 = tpu.memref_slice %arg9[%dma_start3A_75, %dma_start3A_76] : memref<200x64xf32, #tpu.memory_space<vmem>> -> memref<40x64xf32, #tpu.memory_space<vmem>>
    %dma_start3A_78 = arith.constant 0 : i32
    %dma_start3A_79 = tpu.memref_slice %arg6[%dma_start3A_74, %dma_start3A_78] : memref<640x40xi32, #tpu.memory_space<vmem>> -> memref<1x40xi32, #tpu.memory_space<vmem>>
    %dma_start3A_80 = tpu.memref_squeeze %dma_start3A_79 : memref<1x40xi32, #tpu.memory_space<vmem>> -> memref<40xi32, #tpu.memory_space<vmem>>
    %dma_start3A_81 = arith.constant 0 : i32
    %dma_start3A_82 = arith.constant 0 : i32
    %dma_start3A_83 = tpu.memref_slice %arg3[%dma_start3A_81, %dma_start3A_82] : memref<1000000x64xf32, #tpu.memory_space<hbm>> -> memref<1000000x64xf32, #tpu.memory_space<hbm>>
    tpu.enqueue_indirect_dma source(%dma_start3A_83 : memref<1000000x64xf32, #tpu.memory_space<hbm>>) target(%dma_start3A_77 : memref<40x64xf32, #tpu.memory_space<vmem>>) offsets(%dma_start3A_80 : memref<40xi32, #tpu.memory_space<vmem>>) semaphore(%arg13 : memref<!tpu.dma_semaphore, #tpu.memory_space<semaphore_mem>>)
    %dma_start3A_84 = arith.constant 8 : i32
    %dma_start3A_85 = arith.constant 120 : i32
    %dma_start3A_86 = arith.constant 0 : i32
    %dma_start3A_87 = tpu.memref_slice %arg9[%dma_start3A_85, %dma_start3A_86] : memref<200x64xf32, #tpu.memory_space<vmem>> -> memref<40x64xf32, #tpu.memory_space<vmem>>
    %dma_start3A_88 = arith.constant 0 : i32
    %dma_start3A_89 = tpu.memref_slice %arg6[%dma_start3A_84, %dma_start3A_88] : memref<640x40xi32, #tpu.memory_space<vmem>> -> memref<1x40xi32, #tpu.memory_space<vmem>>
    %dma_start3A_90 = tpu.memref_squeeze %dma_start3A_89 : memref<1x40xi32, #tpu.memory_space<vmem>> -> memref<40xi32, #tpu.memory_space<vmem>>
    %dma_start3A_91 = arith.constant 0 : i32
    %dma_start3A_92 = arith.constant 0 : i32
    %dma_start3A_93 = tpu.memref_slice %arg3[%dma_start3A_91, %dma_start3A_92] : memref<1000000x64xf32, #tpu.memory_space<hbm>> -> memref<1000000x64xf32, #tpu.memory_space<hbm>>
    tpu.enqueue_indirect_dma source(%dma_start3A_93 : memref<1000000x64xf32, #tpu.memory_space<hbm>>) target(%dma_start3A_87 : memref<40x64xf32, #tpu.memory_space<vmem>>) offsets(%dma_start3A_90 : memref<40xi32, #tpu.memory_space<vmem>>) semaphore(%arg13 : memref<!tpu.dma_semaphore, #tpu.memory_space<semaphore_mem>>)
    %dma_start3A_94 = arith.constant 9 : i32
    %dma_start3A_95 = arith.constant 160 : i32
    %dma_start3A_96 = arith.constant 0 : i32
    %dma_start3A_97 = tpu.memref_slice %arg9[%dma_start3A_95, %dma_start3A_96] : memref<200x64xf32, #tpu.memory_space<vmem>> -> memref<40x64xf32, #tpu.memory_space<vmem>>
    %dma_start3A_98 = arith.constant 0 : i32
    %dma_start3A_99 = tpu.memref_slice %arg6[%dma_start3A_94, %dma_start3A_98] : memref<640x40xi32, #tpu.memory_space<vmem>> -> memref<1x40xi32, #tpu.memory_space<vmem>>
    %dma_start3A_100 = tpu.memref_squeeze %dma_start3A_99 : memref<1x40xi32, #tpu.memory_space<vmem>> -> memref<40xi32, #tpu.memory_space<vmem>>
    %dma_start3A_101 = arith.constant 0 : i32
    %dma_start3A_102 = arith.constant 0 : i32
    %dma_start3A_103 = tpu.memref_slice %arg3[%dma_start3A_101, %dma_start3A_102] : memref<1000000x64xf32, #tpu.memory_space<hbm>> -> memref<1000000x64xf32, #tpu.memory_space<hbm>>
    tpu.enqueue_indirect_dma source(%dma_start3A_103 : memref<1000000x64xf32, #tpu.memory_space<hbm>>) target(%dma_start3A_97 : memref<40x64xf32, #tpu.memory_space<vmem>>) offsets(%dma_start3A_100 : memref<40xi32, #tpu.memory_space<vmem>>) semaphore(%arg13 : memref<!tpu.dma_semaphore, #tpu.memory_space<semaphore_mem>>)
    %dma_start3A_104 = arith.constant 10 : i32
    %dma_start3A_105 = arith.constant 0 : i32
    %dma_start3A_106 = arith.constant 0 : i32
    %dma_start3A_107 = tpu.memref_slice %arg10[%dma_start3A_105, %dma_start3A_106] : memref<200x64xf32, #tpu.memory_space<vmem>> -> memref<40x64xf32, #tpu.memory_space<vmem>>
    %dma_start3A_108 = arith.constant 0 : i32
    %dma_start3A_109 = tpu.memref_slice %arg6[%dma_start3A_104, %dma_start3A_108] : memref<640x40xi32, #tpu.memory_space<vmem>> -> memref<1x40xi32, #tpu.memory_space<vmem>>
    %dma_start3A_110 = tpu.memref_squeeze %dma_start3A_109 : memref<1x40xi32, #tpu.memory_space<vmem>> -> memref<40xi32, #tpu.memory_space<vmem>>
    %dma_start3A_111 = arith.constant 0 : i32
    %dma_start3A_112 = arith.constant 0 : i32
    %dma_start3A_113 = tpu.memref_slice %arg3[%dma_start3A_111, %dma_start3A_112] : memref<1000000x64xf32, #tpu.memory_space<hbm>> -> memref<1000000x64xf32, #tpu.memory_space<hbm>>
    tpu.enqueue_indirect_dma source(%dma_start3A_113 : memref<1000000x64xf32, #tpu.memory_space<hbm>>) target(%dma_start3A_107 : memref<40x64xf32, #tpu.memory_space<vmem>>) offsets(%dma_start3A_110 : memref<40xi32, #tpu.memory_space<vmem>>) semaphore(%arg14 : memref<!tpu.dma_semaphore, #tpu.memory_space<semaphore_mem>>)
    %dma_start3A_114 = arith.constant 11 : i32
    %dma_start3A_115 = arith.constant 40 : i32
    %dma_start3A_116 = arith.constant 0 : i32
    %dma_start3A_117 = tpu.memref_slice %arg10[%dma_start3A_115, %dma_start3A_116] : memref<200x64xf32, #tpu.memory_space<vmem>> -> memref<40x64xf32, #tpu.memory_space<vmem>>
    %dma_start3A_118 = arith.constant 0 : i32
    %dma_start3A_119 = tpu.memref_slice %arg6[%dma_start3A_114, %dma_start3A_118] : memref<640x40xi32, #tpu.memory_space<vmem>> -> memref<1x40xi32, #tpu.memory_space<vmem>>
    %dma_start3A_120 = tpu.memref_squeeze %dma_start3A_119 : memref<1x40xi32, #tpu.memory_space<vmem>> -> memref<40xi32, #tpu.memory_space<vmem>>
    %dma_start3A_121 = arith.constant 0 : i32
    %dma_start3A_122 = arith.constant 0 : i32
    %dma_start3A_123 = tpu.memref_slice %arg3[%dma_start3A_121, %dma_start3A_122] : memref<1000000x64xf32, #tpu.memory_space<hbm>> -> memref<1000000x64xf32, #tpu.memory_space<hbm>>
    tpu.enqueue_indirect_dma source(%dma_start3A_123 : memref<1000000x64xf32, #tpu.memory_space<hbm>>) target(%dma_start3A_117 : memref<40x64xf32, #tpu.memory_space<vmem>>) offsets(%dma_start3A_120 : memref<40xi32, #tpu.memory_space<vmem>>) semaphore(%arg14 : memref<!tpu.dma_semaphore, #tpu.memory_space<semaphore_mem>>)
    %dma_start3A_124 = arith.constant 12 : i32
    %dma_start3A_125 = arith.constant 80 : i32
    %dma_start3A_126 = arith.constant 0 : i32
    %dma_start3A_127 = tpu.memref_slice %arg10[%dma_start3A_125, %dma_start3A_126] : memref<200x64xf32, #tpu.memory_space<vmem>> -> memref<40x64xf32, #tpu.memory_space<vmem>>
    %dma_start3A_128 = arith.constant 0 : i32
    %dma_start3A_129 = tpu.memref_slice %arg6[%dma_start3A_124, %dma_start3A_128] : memref<640x40xi32, #tpu.memory_space<vmem>> -> memref<1x40xi32, #tpu.memory_space<vmem>>
    %dma_start3A_130 = tpu.memref_squeeze %dma_start3A_129 : memref<1x40xi32, #tpu.memory_space<vmem>> -> memref<40xi32, #tpu.memory_space<vmem>>
    %dma_start3A_131 = arith.constant 0 : i32
    %dma_start3A_132 = arith.constant 0 : i32
    %dma_start3A_133 = tpu.memref_slice %arg3[%dma_start3A_131, %dma_start3A_132] : memref<1000000x64xf32, #tpu.memory_space<hbm>> -> memref<1000000x64xf32, #tpu.memory_space<hbm>>
    tpu.enqueue_indirect_dma source(%dma_start3A_133 : memref<1000000x64xf32, #tpu.memory_space<hbm>>) target(%dma_start3A_127 : memref<40x64xf32, #tpu.memory_space<vmem>>) offsets(%dma_start3A_130 : memref<40xi32, #tpu.memory_space<vmem>>) semaphore(%arg14 : memref<!tpu.dma_semaphore, #tpu.memory_space<semaphore_mem>>)
    %dma_start3A_134 = arith.constant 13 : i32
    %dma_start3A_135 = arith.constant 120 : i32
    %dma_start3A_136 = arith.constant 0 : i32
    %dma_start3A_137 = tpu.memref_slice %arg10[%dma_start3A_135, %dma_start3A_136] : memref<200x64xf32, #tpu.memory_space<vmem>> -> memref<40x64xf32, #tpu.memory_space<vmem>>
    %dma_start3A_138 = arith.constant 0 : i32
    %dma_start3A_139 = tpu.memref_slice %arg6[%dma_start3A_134, %dma_start3A_138] : memref<640x40xi32, #tpu.memory_space<vmem>> -> memref<1x40xi32, #tpu.memory_space<vmem>>
    %dma_start3A_140 = tpu.memref_squeeze %dma_start3A_139 : memref<1x40xi32, #tpu.memory_space<vmem>> -> memref<40xi32, #tpu.memory_space<vmem>>
    %dma_start3A_141 = arith.constant 0 : i32
    %dma_start3A_142 = arith.constant 0 : i32
    %dma_start3A_143 = tpu.memref_slice %arg3[%dma_start3A_141, %dma_start3A_142] : memref<1000000x64xf32, #tpu.memory_space<hbm>> -> memref<1000000x64xf32, #tpu.memory_space<hbm>>
    tpu.enqueue_indirect_dma source(%dma_start3A_143 : memref<1000000x64xf32, #tpu.memory_space<hbm>>) target(%dma_start3A_137 : memref<40x64xf32, #tpu.memory_space<vmem>>) offsets(%dma_start3A_140 : memref<40xi32, #tpu.memory_space<vmem>>) semaphore(%arg14 : memref<!tpu.dma_semaphore, #tpu.memory_space<semaphore_mem>>)
    %dma_start3A_144 = arith.constant 14 : i32
    %dma_start3A_145 = arith.constant 160 : i32
    %dma_start3A_146 = arith.constant 0 : i32
    %dma_start3A_147 = tpu.memref_slice %arg10[%dma_start3A_145, %dma_start3A_146] : memref<200x64xf32, #tpu.memory_space<vmem>> -> memref<40x64xf32, #tpu.memory_space<vmem>>
    %dma_start3A_148 = arith.constant 0 : i32
    %dma_start3A_149 = tpu.memref_slice %arg6[%dma_start3A_144, %dma_start3A_148] : memref<640x40xi32, #tpu.memory_space<vmem>> -> memref<1x40xi32, #tpu.memory_space<vmem>>
    %dma_start3A_150 = tpu.memref_squeeze %dma_start3A_149 : memref<1x40xi32, #tpu.memory_space<vmem>> -> memref<40xi32, #tpu.memory_space<vmem>>
    %dma_start3A_151 = arith.constant 0 : i32
    %dma_start3A_152 = arith.constant 0 : i32
    %dma_start3A_153 = tpu.memref_slice %arg3[%dma_start3A_151, %dma_start3A_152] : memref<1000000x64xf32, #tpu.memory_space<hbm>> -> memref<1000000x64xf32, #tpu.memory_space<hbm>>
    tpu.enqueue_indirect_dma source(%dma_start3A_153 : memref<1000000x64xf32, #tpu.memory_space<hbm>>) target(%dma_start3A_147 : memref<40x64xf32, #tpu.memory_space<vmem>>) offsets(%dma_start3A_150 : memref<40xi32, #tpu.memory_space<vmem>>) semaphore(%arg14 : memref<!tpu.dma_semaphore, #tpu.memory_space<semaphore_mem>>)
    %scan3A = arith.constant 0 : i32
    %scan3A_154 = arith.constant 0 : i32
    %scan3A_155 = arith.constant 32 : i32
    %scan3A_156 = arith.addi %scan3A_154, %scan3A_155 : i32
    %scan3A_157 = arith.constant 1 : i32
    scf.for %scan3A_182 = %scan3A_154 to %scan3A_156 step %scan3A_157  : i32 {
      %mul3A_183 = arith.constant 4 : i32
      %mul3A_184 = arith.muli %scan3A_182, %mul3A_183 : i32
      %add3A_185 = arith.constant 0 : i32
      %add3A_186 = arith.addi %mul3A_184, %add3A_185 : i32
      %dma_wait3A_187 = arith.constant 0 : i32
      %dma_wait3A_188 = arith.constant 0 : i32
      %dma_wait3A_189 = tpu.memref_slice %arg5[%dma_wait3A_187, %dma_wait3A_188] : memref<819200x64xf32, #tpu.memory_space<hbm>> -> memref<200x64xf32, #tpu.memory_space<hbm>>
      %dma_wait3A_190 = arith.constant 0 : i32
      %dma_wait3A_191 = arith.constant 0 : i32
      %dma_wait3A_192 = tpu.memref_slice %arg5[%dma_wait3A_190, %dma_wait3A_191] : memref<819200x64xf32, #tpu.memory_space<hbm>> -> memref<200x64xf32, #tpu.memory_space<hbm>>
      tpu.wait_dma2 semaphore(%arg12 : memref<!tpu.dma_semaphore, #tpu.memory_space<semaphore_mem>>) src(%dma_wait3A_192 : memref<200x64xf32, #tpu.memory_space<hbm>>) dst(%arg8 : memref<200x64xf32, #tpu.memory_space<vmem>>)
      %scan3A_193 = arith.constant 0 : i32
      %scan3A_194 = arith.constant 0 : i32
      %scan3A_195 = arith.constant 50 : i32
      %scan3A_196 = arith.addi %scan3A_194, %scan3A_195 : i32
      %scan3A_197 = arith.constant 1 : i32
      scf.for %scan3A_359 = %scan3A_194 to %scan3A_196 step %scan3A_197  : i32 {
        %mul3A_360 = arith.constant 4 : i32
        %mul3A_361 = arith.muli %scan3A_359, %mul3A_360 : i32
        %add3A_362 = arith.constant 0 : i32
        %add3A_363 = arith.addi %mul3A_361, %add3A_362 : i32
        %add3A_364 = arith.constant 0 : i32
        %add3A_365 = arith.addi %mul3A_361, %add3A_364 : i32
        %get3A = arith.index_cast %add3A_365 : i32 to index
        %get3A_366 = arith.constant 0 : index
        %get3A_367 = tpu.vector_load %arg7[%get3A, %get3A_366] {strides = array<i32>} : memref<200x64xf32, #tpu.memory_space<vmem>>, vector<1x16xf32>,
        %get3A_368 = vector.shape_cast %get3A_367 : vector<1x16xf32> to vector<16xf32>
        %swap3A = arith.index_cast %add3A_363 : i32 to index
        %swap3A_369 = arith.constant 0 : index
        %swap3A_370 = tpu.vector_load %arg8[%swap3A, %swap3A_369] {strides = array<i32>} : memref<200x64xf32, #tpu.memory_space<vmem>>, vector<1x16xf32>,
        %swap3A_371 = vector.shape_cast %swap3A_370 : vector<1x16xf32> to vector<16xf32>
        %swap3A_372 = vector.shape_cast %get3A_368 : vector<16xf32> to vector<1x16xf32>
        tpu.vector_store %arg8[%swap3A, %swap3A_369], %swap3A_372 {add = true, strides = array<i32>} : memref<200x64xf32, #tpu.memory_space<vmem>>, vector<1x16xf32>,
        %add3A_373 = arith.constant 0 : i32
        %add3A_374 = arith.addi %mul3A_361, %add3A_373 : i32
        %add3A_375 = arith.constant 0 : i32
        %add3A_376 = arith.addi %mul3A_361, %add3A_375 : i32
        %get3A_377 = arith.index_cast %add3A_376 : i32 to index
        %get3A_378 = arith.constant 16 : index
        %get3A_379 = tpu.vector_load %arg7[%get3A_377, %get3A_378] {strides = array<i32>} : memref<200x64xf32, #tpu.memory_space<vmem>>, vector<1x16xf32>,
        %get3A_380 = vector.shape_cast %get3A_379 : vector<1x16xf32> to vector<16xf32>
        %swap3A_381 = arith.index_cast %add3A_374 : i32 to index
        %swap3A_382 = arith.constant 16 : index
        %swap3A_383 = tpu.vector_load %arg8[%swap3A_381, %swap3A_382] {strides = array<i32>} : memref<200x64xf32, #tpu.memory_space<vmem>>, vector<1x16xf32>,
        %swap3A_384 = vector.shape_cast %swap3A_383 : vector<1x16xf32> to vector<16xf32>
        %swap3A_385 = vector.shape_cast %get3A_380 : vector<16xf32> to vector<1x16xf32>
        tpu.vector_store %arg8[%swap3A_381, %swap3A_382], %swap3A_385 {add = true, strides = array<i32>} : memref<200x64xf32, #tpu.memory_space<vmem>>, vector<1x16xf32>,
        %add3A_386 = arith.constant 0 : i32
        %add3A_387 = arith.addi %mul3A_361, %add3A_386 : i32
        %add3A_388 = arith.constant 0 : i32
        %add3A_389 = arith.addi %mul3A_361, %add3A_388 : i32
        %get3A_390 = arith.index_cast %add3A_389 : i32 to index
        %get3A_391 = arith.constant 32 : index
        %get3A_392 = tpu.vector_load %arg7[%get3A_390, %get3A_391] {strides = array<i32>} : memref<200x64xf32, #tpu.memory_space<vmem>>, vector<1x16xf32>,
        %get3A_393 = vector.shape_cast %get3A_392 : vector<1x16xf32> to vector<16xf32>
        %swap3A_394 = arith.index_cast %add3A_387 : i32 to index
        %swap3A_395 = arith.constant 32 : index
        %swap3A_396 = tpu.vector_load %arg8[%swap3A_394, %swap3A_395] {strides = array<i32>} : memref<200x64xf32, #tpu.memory_space<vmem>>, vector<1x16xf32>,
        %swap3A_397 = vector.shape_cast %swap3A_396 : vector<1x16xf32> to vector<16xf32>
        %swap3A_398 = vector.shape_cast %get3A_393 : vector<16xf32> to vector<1x16xf32>
        tpu.vector_store %arg8[%swap3A_394, %swap3A_395], %swap3A_398 {add = true, strides = array<i32>} : memref<200x64xf32, #tpu.memory_space<vmem>>, vector<1x16xf32>,
        %add3A_399 = arith.constant 0 : i32
        %add3A_400 = arith.addi %mul3A_361, %add3A_399 : i32
        %add3A_401 = arith.constant 0 : i32
        %add3A_402 = arith.addi %mul3A_361, %add3A_401 : i32
        %get3A_403 = arith.index_cast %add3A_402 : i32 to index
        %get3A_404 = arith.constant 48 : index
        %get3A_405 = tpu.vector_load %arg7[%get3A_403, %get3A_404] {strides = array<i32>} : memref<200x64xf32, #tpu.memory_space<vmem>>, vector<1x16xf32>,
        %get3A_406 = vector.shape_cast %get3A_405 : vector<1x16xf32> to vector<16xf32>
        %swap3A_407 = arith.index_cast %add3A_400 : i32 to index
        %swap3A_408 = arith.constant 48 : index
        %swap3A_409 = tpu.vector_load %arg8[%swap3A_407, %swap3A_408] {strides = array<i32>} : memref<200x64xf32, #tpu.memory_space<vmem>>, vector<1x16xf32>,
        %swap3A_410 = vector.shape_cast %swap3A_409 : vector<1x16xf32> to vector<16xf32>
        %swap3A_411 = vector.shape_cast %get3A_406 : vector<16xf32> to vector<1x16xf32>
        tpu.vector_store %arg8[%swap3A_407, %swap3A_408], %swap3A_411 {add = true, strides = array<i32>} : memref<200x64xf32, #tpu.memory_space<vmem>>, vector<1x16xf32>,
        %add3A_412 = arith.constant 1 : i32
        %add3A_413 = arith.addi %mul3A_361, %add3A_412 : i32
        %add3A_414 = arith.constant 1 : i32
        %add3A_415 = arith.addi %mul3A_361, %add3A_414 : i32
        %get3A_416 = arith.index_cast %add3A_415 : i32 to index
        %get3A_417 = arith.constant 0 : index
        %get3A_418 = tpu.vector_load %arg7[%get3A_416, %get3A_417] {strides = array<i32>} : memref<200x64xf32, #tpu.memory_space<vmem>>, vector<1x16xf32>,
        %get3A_419 = vector.shape_cast %get3A_418 : vector<1x16xf32> to vector<16xf32>
        %swap3A_420 = arith.index_cast %add3A_413 : i32 to index
        %swap3A_421 = arith.constant 0 : index
        %swap3A_422 = tpu.vector_load %arg8[%swap3A_420, %swap3A_421] {strides = array<i32>} : memref<200x64xf32, #tpu.memory_space<vmem>>, vector<1x16xf32>,
        %swap3A_423 = vector.shape_cast %swap3A_422 : vector<1x16xf32> to vector<16xf32>
        %swap3A_424 = vector.shape_cast %get3A_419 : vector<16xf32> to vector<1x16xf32>
        tpu.vector_store %arg8[%swap3A_420, %swap3A_421], %swap3A_424 {add = true, strides = array<i32>} : memref<200x64xf32, #tpu.memory_space<vmem>>, vector<1x16xf32>,
        %add3A_425 = arith.constant 1 : i32
        %add3A_426 = arith.addi %mul3A_361, %add3A_425 : i32
        %add3A_427 = arith.constant 1 : i32
        %add3A_428 = arith.addi %mul3A_361, %add3A_427 : i32
        %get3A_429 = arith.index_cast %add3A_428 : i32 to index
        %get3A_430 = arith.constant 16 : index
        %get3A_431 = tpu.vector_load %arg7[%get3A_429, %get3A_430] {strides = array<i32>} : memref<200x64xf32, #tpu.memory_space<vmem>>, vector<1x16xf32>,
        %get3A_432 = vector.shape_cast %get3A_431 : vector<1x16xf32> to vector<16xf32>
        %swap3A_433 = arith.index_cast %add3A_426 : i32 to index
        %swap3A_434 = arith.constant 16 : index
        %swap3A_435 = tpu.vector_load %arg8[%swap3A_433, %swap3A_434] {strides = array<i32>} : memref<200x64xf32, #tpu.memory_space<vmem>>, vector<1x16xf32>,
        %swap3A_436 = vector.shape_cast %swap3A_435 : vector<1x16xf32> to vector<16xf32>
        %swap3A_437 = vector.shape_cast %get3A_432 : vector<16xf32> to vector<1x16xf32>
        tpu.vector_store %arg8[%swap3A_433, %swap3A_434], %swap3A_437 {add = true, strides = array<i32>} : memref<200x64xf32, #tpu.memory_space<vmem>>, vector<1x16xf32>,
        %add3A_438 = arith.constant 1 : i32
        %add3A_439 = arith.addi %mul3A_361, %add3A_438 : i32
        %add3A_440 = arith.constant 1 : i32
        %add3A_441 = arith.addi %mul3A_361, %add3A_440 : i32
        %get3A_442 = arith.index_cast %add3A_441 : i32 to index
        %get3A_443 = arith.constant 32 : index
        %get3A_444 = tpu.vector_load %arg7[%get3A_442, %get3A_443] {strides = array<i32>} : memref<200x64xf32, #tpu.memory_space<vmem>>, vector<1x16xf32>,
        %get3A_445 = vector.shape_cast %get3A_444 : vector<1x16xf32> to vector<16xf32>
        %swap3A_446 = arith.index_cast %add3A_439 : i32 to index
        %swap3A_447 = arith.constant 32 : index
        %swap3A_448 = tpu.vector_load %arg8[%swap3A_446, %swap3A_447] {strides = array<i32>} : memref<200x64xf32, #tpu.memory_space<vmem>>, vector<1x16xf32>,
        %swap3A_449 = vector.shape_cast %swap3A_448 : vector<1x16xf32> to vector<16xf32>
        %swap3A_450 = vector.shape_cast %get3A_445 : vector<16xf32> to vector<1x16xf32>
        tpu.vector_store %arg8[%swap3A_446, %swap3A_447], %swap3A_450 {add = true, strides = array<i32>} : memref<200x64xf32, #tpu.memory_space<vmem>>, vector<1x16xf32>,
        %add3A_451 = arith.constant 1 : i32
        %add3A_452 = arith.addi %mul3A_361, %add3A_451 : i32
        %add3A_453 = arith.constant 1 : i32
        %add3A_454 = arith.addi %mul3A_361, %add3A_453 : i32
        %get3A_455 = arith.index_cast %add3A_454 : i32 to index
        %get3A_456 = arith.constant 48 : index
        %get3A_457 = tpu.vector_load %arg7[%get3A_455, %get3A_456] {strides = array<i32>} : memref<200x64xf32, #tpu.memory_space<vmem>>, vector<1x16xf32>,
        %get3A_458 = vector.shape_cast %get3A_457 : vector<1x16xf32> to vector<16xf32>
        %swap3A_459 = arith.index_cast %add3A_452 : i32 to index
        %swap3A_460 = arith.constant 48 : index
        %swap3A_461 = tpu.vector_load %arg8[%swap3A_459, %swap3A_460] {strides = array<i32>} : memref<200x64xf32, #tpu.memory_space<vmem>>, vector<1x16xf32>,
        %swap3A_462 = vector.shape_cast %swap3A_461 : vector<1x16xf32> to vector<16xf32>
        %swap3A_463 = vector.shape_cast %get3A_458 : vector<16xf32> to vector<1x16xf32>
        tpu.vector_store %arg8[%swap3A_459, %swap3A_460], %swap3A_463 {add = true, strides = array<i32>} : memref<200x64xf32, #tpu.memory_space<vmem>>, vector<1x16xf32>,
        %add3A_464 = arith.constant 2 : i32
        %add3A_465 = arith.addi %mul3A_361, %add3A_464 : i32
        %add3A_466 = arith.constant 2 : i32
        %add3A_467 = arith.addi %mul3A_361, %add3A_466 : i32
        %get3A_468 = arith.index_cast %add3A_467 : i32 to index
        %get3A_469 = arith.constant 0 : index
        %get3A_470 = tpu.vector_load %arg7[%get3A_468, %get3A_469] {strides = array<i32>} : memref<200x64xf32, #tpu.memory_space<vmem>>, vector<1x16xf32>,
        %get3A_471 = vector.shape_cast %get3A_470 : vector<1x16xf32> to vector<16xf32>
        %swap3A_472 = arith.index_cast %add3A_465 : i32 to index
        %swap3A_473 = arith.constant 0 : index
        %swap3A_474 = tpu.vector_load %arg8[%swap3A_472, %swap3A_473] {strides = array<i32>} : memref<200x64xf32, #tpu.memory_space<vmem>>, vector<1x16xf32>,
        %swap3A_475 = vector.shape_cast %swap3A_474 : vector<1x16xf32> to vector<16xf32>
        %swap3A_476 = vector.shape_cast %get3A_471 : vector<16xf32> to vector<1x16xf32>
        tpu.vector_store %arg8[%swap3A_472, %swap3A_473], %swap3A_476 {add = true, strides = array<i32>} : memref<200x64xf32, #tpu.memory_space<vmem>>, vector<1x16xf32>,
        %add3A_477 = arith.constant 2 : i32
        %add3A_478 = arith.addi %mul3A_361, %add3A_477 : i32
        %add3A_479 = arith.constant 2 : i32
        %add3A_480 = arith.addi %mul3A_361, %add3A_479 : i32
        %get3A_481 = arith.index_cast %add3A_480 : i32 to index
        %get3A_482 = arith.constant 16 : index
        %get3A_483 = tpu.vector_load %arg7[%get3A_481, %get3A_482] {strides = array<i32>} : memref<200x64xf32, #tpu.memory_space<vmem>>, vector<1x16xf32>,
        %get3A_484 = vector.shape_cast %get3A_483 : vector<1x16xf32> to vector<16xf32>
        %swap3A_485 = arith.index_cast %add3A_478 : i32 to index
        %swap3A_486 = arith.constant 16 : index
        %swap3A_487 = tpu.vector_load %arg8[%swap3A_485, %swap3A_486] {strides = array<i32>} : memref<200x64xf32, #tpu.memory_space<vmem>>, vector<1x16xf32>,
        %swap3A_488 = vector.shape_cast %swap3A_487 : vector<1x16xf32> to vector<16xf32>
        %swap3A_489 = vector.shape_cast %get3A_484 : vector<16xf32> to vector<1x16xf32>
        tpu.vector_store %arg8[%swap3A_485, %swap3A_486], %swap3A_489 {add = true, strides = array<i32>} : memref<200x64xf32, #tpu.memory_space<vmem>>, vector<1x16xf32>,
        %add3A_490 = arith.constant 2 : i32
        %add3A_491 = arith.addi %mul3A_361, %add3A_490 : i32
        %add3A_492 = arith.constant 2 : i32
        %add3A_493 = arith.addi %mul3A_361, %add3A_492 : i32
        %get3A_494 = arith.index_cast %add3A_493 : i32 to index
        %get3A_495 = arith.constant 32 : index
        %get3A_496 = tpu.vector_load %arg7[%get3A_494, %get3A_495] {strides = array<i32>} : memref<200x64xf32, #tpu.memory_space<vmem>>, vector<1x16xf32>,
        %get3A_497 = vector.shape_cast %get3A_496 : vector<1x16xf32> to vector<16xf32>
        %swap3A_498 = arith.index_cast %add3A_491 : i32 to index
        %swap3A_499 = arith.constant 32 : index
        %swap3A_500 = tpu.vector_load %arg8[%swap3A_498, %swap3A_499] {strides = array<i32>} : memref<200x64xf32, #tpu.memory_space<vmem>>, vector<1x16xf32>,
        %swap3A_501 = vector.shape_cast %swap3A_500 : vector<1x16xf32> to vector<16xf32>
        %swap3A_502 = vector.shape_cast %get3A_497 : vector<16xf32> to vector<1x16xf32>
        tpu.vector_store %arg8[%swap3A_498, %swap3A_499], %swap3A_502 {add = true, strides = array<i32>} : memref<200x64xf32, #tpu.memory_space<vmem>>, vector<1x16xf32>,
        %add3A_503 = arith.constant 2 : i32
        %add3A_504 = arith.addi %mul3A_361, %add3A_503 : i32
        %add3A_505 = arith.constant 2 : i32
        %add3A_506 = arith.addi %mul3A_361, %add3A_505 : i32
        %get3A_507 = arith.index_cast %add3A_506 : i32 to index
        %get3A_508 = arith.constant 48 : index
        %get3A_509 = tpu.vector_load %arg7[%get3A_507, %get3A_508] {strides = array<i32>} : memref<200x64xf32, #tpu.memory_space<vmem>>, vector<1x16xf32>,
        %get3A_510 = vector.shape_cast %get3A_509 : vector<1x16xf32> to vector<16xf32>
        %swap3A_511 = arith.index_cast %add3A_504 : i32 to index
        %swap3A_512 = arith.constant 48 : index
        %swap3A_513 = tpu.vector_load %arg8[%swap3A_511, %swap3A_512] {strides = array<i32>} : memref<200x64xf32, #tpu.memory_space<vmem>>, vector<1x16xf32>,
        %swap3A_514 = vector.shape_cast %swap3A_513 : vector<1x16xf32> to vector<16xf32>
        %swap3A_515 = vector.shape_cast %get3A_510 : vector<16xf32> to vector<1x16xf32>
        tpu.vector_store %arg8[%swap3A_511, %swap3A_512], %swap3A_515 {add = true, strides = array<i32>} : memref<200x64xf32, #tpu.memory_space<vmem>>, vector<1x16xf32>,
        %add3A_516 = arith.constant 3 : i32
        %add3A_517 = arith.addi %mul3A_361, %add3A_516 : i32
        %add3A_518 = arith.constant 3 : i32
        %add3A_519 = arith.addi %mul3A_361, %add3A_518 : i32
        %get3A_520 = arith.index_cast %add3A_519 : i32 to index
        %get3A_521 = arith.constant 0 : index
        %get3A_522 = tpu.vector_load %arg7[%get3A_520, %get3A_521] {strides = array<i32>} : memref<200x64xf32, #tpu.memory_space<vmem>>, vector<1x16xf32>,
        %get3A_523 = vector.shape_cast %get3A_522 : vector<1x16xf32> to vector<16xf32>
        %swap3A_524 = arith.index_cast %add3A_517 : i32 to index
        %swap3A_525 = arith.constant 0 : index
        %swap3A_526 = tpu.vector_load %arg8[%swap3A_524, %swap3A_525] {strides = array<i32>} : memref<200x64xf32, #tpu.memory_space<vmem>>, vector<1x16xf32>,
        %swap3A_527 = vector.shape_cast %swap3A_526 : vector<1x16xf32> to vector<16xf32>
        %swap3A_528 = vector.shape_cast %get3A_523 : vector<16xf32> to vector<1x16xf32>
        tpu.vector_store %arg8[%swap3A_524, %swap3A_525], %swap3A_528 {add = true, strides = array<i32>} : memref<200x64xf32, #tpu.memory_space<vmem>>, vector<1x16xf32>,
        %add3A_529 = arith.constant 3 : i32
        %add3A_530 = arith.addi %mul3A_361, %add3A_529 : i32
        %add3A_531 = arith.constant 3 : i32
        %add3A_532 = arith.addi %mul3A_361, %add3A_531 : i32
        %get3A_533 = arith.index_cast %add3A_532 : i32 to index
        %get3A_534 = arith.constant 16 : index
        %get3A_535 = tpu.vector_load %arg7[%get3A_533, %get3A_534] {strides = array<i32>} : memref<200x64xf32, #tpu.memory_space<vmem>>, vector<1x16xf32>,
        %get3A_536 = vector.shape_cast %get3A_535 : vector<1x16xf32> to vector<16xf32>
        %swap3A_537 = arith.index_cast %add3A_530 : i32 to index
        %swap3A_538 = arith.constant 16 : index
        %swap3A_539 = tpu.vector_load %arg8[%swap3A_537, %swap3A_538] {strides = array<i32>} : memref<200x64xf32, #tpu.memory_space<vmem>>, vector<1x16xf32>,
        %swap3A_540 = vector.shape_cast %swap3A_539 : vector<1x16xf32> to vector<16xf32>
        %swap3A_541 = vector.shape_cast %get3A_536 : vector<16xf32> to vector<1x16xf32>
        tpu.vector_store %arg8[%swap3A_537, %swap3A_538], %swap3A_541 {add = true, strides = array<i32>} : memref<200x64xf32, #tpu.memory_space<vmem>>, vector<1x16xf32>,
        %add3A_542 = arith.constant 3 : i32
        %add3A_543 = arith.addi %mul3A_361, %add3A_542 : i32
        %add3A_544 = arith.constant 3 : i32
        %add3A_545 = arith.addi %mul3A_361, %add3A_544 : i32
        %get3A_546 = arith.index_cast %add3A_545 : i32 to index
        %get3A_547 = arith.constant 32 : index
        %get3A_548 = tpu.vector_load %arg7[%get3A_546, %get3A_547] {strides = array<i32>} : memref<200x64xf32, #tpu.memory_space<vmem>>, vector<1x16xf32>,
        %get3A_549 = vector.shape_cast %get3A_548 : vector<1x16xf32> to vector<16xf32>
        %swap3A_550 = arith.index_cast %add3A_543 : i32 to index
        %swap3A_551 = arith.constant 32 : index
        %swap3A_552 = tpu.vector_load %arg8[%swap3A_550, %swap3A_551] {strides = array<i32>} : memref<200x64xf32, #tpu.memory_space<vmem>>, vector<1x16xf32>,
        %swap3A_553 = vector.shape_cast %swap3A_552 : vector<1x16xf32> to vector<16xf32>
        %swap3A_554 = vector.shape_cast %get3A_549 : vector<16xf32> to vector<1x16xf32>
        tpu.vector_store %arg8[%swap3A_550, %swap3A_551], %swap3A_554 {add = true, strides = array<i32>} : memref<200x64xf32, #tpu.memory_space<vmem>>, vector<1x16xf32>,
        %add3A_555 = arith.constant 3 : i32
        %add3A_556 = arith.addi %mul3A_361, %add3A_555 : i32
        %add3A_557 = arith.constant 3 : i32
        %add3A_558 = arith.addi %mul3A_361, %add3A_557 : i32
        %get3A_559 = arith.index_cast %add3A_558 : i32 to index
        %get3A_560 = arith.constant 48 : index
        %get3A_561 = tpu.vector_load %arg7[%get3A_559, %get3A_560] {strides = array<i32>} : memref<200x64xf32, #tpu.memory_space<vmem>>, vector<1x16xf32>,
        %get3A_562 = vector.shape_cast %get3A_561 : vector<1x16xf32> to vector<16xf32>
        %swap3A_563 = arith.index_cast %add3A_556 : i32 to index
        %swap3A_564 = arith.constant 48 : index
        %swap3A_565 = tpu.vector_load %arg8[%swap3A_563, %swap3A_564] {strides = array<i32>} : memref<200x64xf32, #tpu.memory_space<vmem>>, vector<1x16xf32>,
        %swap3A_566 = vector.shape_cast %swap3A_565 : vector<1x16xf32> to vector<16xf32>
        %swap3A_567 = vector.shape_cast %get3A_562 : vector<16xf32> to vector<1x16xf32>
        tpu.vector_store %arg8[%swap3A_563, %swap3A_564], %swap3A_567 {add = true, strides = array<i32>} : memref<200x64xf32, #tpu.memory_space<vmem>>, vector<1x16xf32>,
      }
      %scan3A_198 = arith.constant 50 : i32
      %mul3A_199 = arith.constant 200 : i32
      %mul3A_200 = arith.muli %add3A_186, %mul3A_199 : i32
      %add3A_201 = arith.addi %mul3A_4, %mul3A_200 : i32
      %dma_start3A_202 = arith.constant 0 : i32
      %dma_start3A_203 = tpu.memref_slice %arg5[%add3A_201, %dma_start3A_202] : memref<819200x64xf32, #tpu.memory_space<hbm>> -> memref<200x64xf32, #tpu.memory_space<hbm>>
      %dma_start3A_204 = arith.constant 0 : i32
      %dma_start3A_205 = tpu.memref_slice %arg5[%add3A_201, %dma_start3A_204] : memref<819200x64xf32, #tpu.memory_space<hbm>> -> memref<200x64xf32, #tpu.memory_space<hbm>>
      tpu.enqueue_dma source(%arg8 : memref<200x64xf32, #tpu.memory_space<vmem>>) target(%dma_start3A_205 : memref<200x64xf32, #tpu.memory_space<hbm>>) target_semaphore(%arg16 : memref<!tpu.dma_semaphore, #tpu.memory_space<semaphore_mem>>)
      %gt3A = arith.constant 0 : i32
      %gt3A_206 = arith.cmpi sgt, %scan3A_182, %gt3A : i32
      %convert_element_type3A = arith.extui %gt3A_206 : i1 to i32
      %cond3A = arith.constant 0 : i32
      %cond3A_207 = arith.cmpi ne, %convert_element_type3A, %cond3A : i32
      scf.if %cond3A_207 {
        %dma_wait3A_359 = arith.constant 0 : i32
        %dma_wait3A_360 = arith.constant 0 : i32
        %dma_wait3A_361 = tpu.memref_slice %arg5[%dma_wait3A_359, %dma_wait3A_360] : memref<819200x64xf32, #tpu.memory_space<hbm>> -> memref<200x64xf32, #tpu.memory_space<hbm>>
        %dma_wait3A_362 = arith.constant 0 : i32
        %dma_wait3A_363 = arith.constant 0 : i32
        %dma_wait3A_364 = tpu.memref_slice %arg5[%dma_wait3A_362, %dma_wait3A_363] : memref<819200x64xf32, #tpu.memory_space<hbm>> -> memref<200x64xf32, #tpu.memory_space<hbm>>
        tpu.wait_dma2 semaphore(%arg19 : memref<!tpu.dma_semaphore, #tpu.memory_space<semaphore_mem>>) src(%arg11 : memref<200x64xf32, #tpu.memory_space<vmem>>) dst(%dma_wait3A_364 : memref<200x64xf32, #tpu.memory_space<hbm>>)
      } else {
      }
      %add3A_208 = arith.constant 4 : i32
      %add3A_209 = arith.addi %add3A_186, %add3A_208 : i32
      %sub3A = arith.constant 1 : i32
      %sub3A_210 = arith.subi %add3A_209, %sub3A : i32
      %mul3A_211 = arith.constant 5 : i32
      %mul3A_212 = arith.muli %sub3A_210, %mul3A_211 : i32
      %add3A_213 = arith.constant 0 : i32
      %add3A_214 = arith.addi %mul3A_212, %add3A_213 : i32
      %dma_start3A_215 = arith.constant 0 : i32
      %dma_start3A_216 = arith.constant 0 : i32
      %dma_start3A_217 = tpu.memref_slice %arg11[%dma_start3A_215, %dma_start3A_216] : memref<200x64xf32, #tpu.memory_space<vmem>> -> memref<40x64xf32, #tpu.memory_space<vmem>>
      %dma_start3A_218 = arith.constant 0 : i32
      %dma_start3A_219 = tpu.memref_slice %arg6[%add3A_214, %dma_start3A_218] : memref<640x40xi32, #tpu.memory_space<vmem>> -> memref<1x40xi32, #tpu.memory_space<vmem>>
      %dma_start3A_220 = tpu.memref_squeeze %dma_start3A_219 : memref<1x40xi32, #tpu.memory_space<vmem>> -> memref<40xi32, #tpu.memory_space<vmem>>
      %dma_start3A_221 = arith.constant 0 : i32
      %dma_start3A_222 = arith.constant 0 : i32
      %dma_start3A_223 = tpu.memref_slice %arg3[%dma_start3A_221, %dma_start3A_222] : memref<1000000x64xf32, #tpu.memory_space<hbm>> -> memref<1000000x64xf32, #tpu.memory_space<hbm>>
      tpu.enqueue_indirect_dma source(%dma_start3A_223 : memref<1000000x64xf32, #tpu.memory_space<hbm>>) target(%dma_start3A_217 : memref<40x64xf32, #tpu.memory_space<vmem>>) offsets(%dma_start3A_220 : memref<40xi32, #tpu.memory_space<vmem>>) semaphore(%arg15 : memref<!tpu.dma_semaphore, #tpu.memory_space<semaphore_mem>>)
      %mul3A_224 = arith.constant 5 : i32
      %mul3A_225 = arith.muli %sub3A_210, %mul3A_224 : i32
      %add3A_226 = arith.constant 1 : i32
      %add3A_227 = arith.addi %mul3A_225, %add3A_226 : i32
      %dma_start3A_228 = arith.constant 40 : i32
      %dma_start3A_229 = arith.constant 0 : i32
      %dma_start3A_230 = tpu.memref_slice %arg11[%dma_start3A_228, %dma_start3A_229] : memref<200x64xf32, #tpu.memory_space<vmem>> -> memref<40x64xf32, #tpu.memory_space<vmem>>
      %dma_start3A_231 = arith.constant 0 : i32
      %dma_start3A_232 = tpu.memref_slice %arg6[%add3A_227, %dma_start3A_231] : memref<640x40xi32, #tpu.memory_space<vmem>> -> memref<1x40xi32, #tpu.memory_space<vmem>>
      %dma_start3A_233 = tpu.memref_squeeze %dma_start3A_232 : memref<1x40xi32, #tpu.memory_space<vmem>> -> memref<40xi32, #tpu.memory_space<vmem>>
      %dma_start3A_234 = arith.constant 0 : i32
      %dma_start3A_235 = arith.constant 0 : i32
      %dma_start3A_236 = tpu.memref_slice %arg3[%dma_start3A_234, %dma_start3A_235] : memref<1000000x64xf32, #tpu.memory_space<hbm>> -> memref<1000000x64xf32, #tpu.memory_space<hbm>>
      tpu.enqueue_indirect_dma source(%dma_start3A_236 : memref<1000000x64xf32, #tpu.memory_space<hbm>>) target(%dma_start3A_230 : memref<40x64xf32, #tpu.memory_space<vmem>>) offsets(%dma_start3A_233 : memref<40xi32, #tpu.memory_space<vmem>>) semaphore(%arg15 : memref<!tpu.dma_semaphore, #tpu.memory_space<semaphore_mem>>)
      %mul3A_237 = arith.constant 5 : i32
      %mul3A_238 = arith.muli %sub3A_210, %mul3A_237 : i32
      %add3A_239 = arith.constant 2 : i32
      %add3A_240 = arith.addi %mul3A_238, %add3A_239 : i32
      %dma_start3A_241 = arith.constant 80 : i32
      %dma_start3A_242 = arith.constant 0 : i32
      %dma_start3A_243 = tpu.memref_slice %arg11[%dma_start3A_241, %dma_start3A_242] : memref<200x64xf32, #tpu.memory_space<vmem>> -> memref<40x64xf32, #tpu.memory_space<vmem>>
      %dma_start3A_244 = arith.constant 0 : i32
      %dma_start3A_245 = tpu.memref_slice %arg6[%add3A_240, %dma_start3A_244] : memref<640x40xi32, #tpu.memory_space<vmem>> -> memref<1x40xi32, #tpu.memory_space<vmem>>
      %dma_start3A_246 = tpu.memref_squeeze %dma_start3A_245 : memref<1x40xi32, #tpu.memory_space<vmem>> -> memref<40xi32, #tpu.memory_space<vmem>>
      %dma_start3A_247 = arith.constant 0 : i32
      %dma_start3A_248 = arith.constant 0 : i32
      %dma_start3A_249 = tpu.memref_slice %arg3[%dma_start3A_247, %dma_start3A_248] : memref<1000000x64xf32, #tpu.memory_space<hbm>> -> memref<1000000x64xf32, #tpu.memory_space<hbm>>
      tpu.enqueue_indirect_dma source(%dma_start3A_249 : memref<1000000x64xf32, #tpu.memory_space<hbm>>) target(%dma_start3A_243 : memref<40x64xf32, #tpu.memory_space<vmem>>) offsets(%dma_start3A_246 : memref<40xi32, #tpu.memory_space<vmem>>) semaphore(%arg15 : memref<!tpu.dma_semaphore, #tpu.memory_space<semaphore_mem>>)
      %mul3A_250 = arith.constant 5 : i32
      %mul3A_251 = arith.muli %sub3A_210, %mul3A_250 : i32
      %add3A_252 = arith.constant 3 : i32
      %add3A_253 = arith.addi %mul3A_251, %add3A_252 : i32
      %dma_start3A_254 = arith.constant 120 : i32
      %dma_start3A_255 = arith.constant 0 : i32
      %dma_start3A_256 = tpu.memref_slice %arg11[%dma_start3A_254, %dma_start3A_255] : memref<200x64xf32, #tpu.memory_space<vmem>> -> memref<40x64xf32, #tpu.memory_space<vmem>>
      %dma_start3A_257 = arith.constant 0 : i32
      %dma_start3A_258 = tpu.memref_slice %arg6[%add3A_253, %dma_start3A_257] : memref<640x40xi32, #tpu.memory_space<vmem>> -> memref<1x40xi32, #tpu.memory_space<vmem>>
      %dma_start3A_259 = tpu.memref_squeeze %dma_start3A_258 : memref<1x40xi32, #tpu.memory_space<vmem>> -> memref<40xi32, #tpu.memory_space<vmem>>
      %dma_start3A_260 = arith.constant 0 : i32
      %dma_start3A_261 = arith.constant 0 : i32
      %dma_start3A_262 = tpu.memref_slice %arg3[%dma_start3A_260, %dma_start3A_261] : memref<1000000x64xf32, #tpu.memory_space<hbm>> -> memref<1000000x64xf32, #tpu.memory_space<hbm>>
      tpu.enqueue_indirect_dma source(%dma_start3A_262 : memref<1000000x64xf32, #tpu.memory_space<hbm>>) target(%dma_start3A_256 : memref<40x64xf32, #tpu.memory_space<vmem>>) offsets(%dma_start3A_259 : memref<40xi32, #tpu.memory_space<vmem>>) semaphore(%arg15 : memref<!tpu.dma_semaphore, #tpu.memory_space<semaphore_mem>>)
      %mul3A_263 = arith.constant 5 : i32
      %mul3A_264 = arith.muli %sub3A_210, %mul3A_263 : i32
      %add3A_265 = arith.constant 4 : i32
      %add3A_266 = arith.addi %mul3A_264, %add3A_265 : i32
      %dma_start3A_267 = arith.constant 160 : i32
      %dma_start3A_268 = arith.constant 0 : i32
      %dma_start3A_269 = tpu.memref_slice %arg11[%dma_start3A_267, %dma_start3A_268] : memref<200x64xf32, #tpu.memory_space<vmem>> -> memref<40x64xf32, #tpu.memory_space<vmem>>
      %dma_start3A_270 = arith.constant 0 : i32
      %dma_start3A_271 = tpu.memref_slice %arg6[%add3A_266, %dma_start3A_270] : memref<640x40xi32, #tpu.memory_space<vmem>> -> memref<1x40xi32, #tpu.memory_space<vmem>>
      %dma_start3A_272 = tpu.memref_squeeze %dma_start3A_271 : memref<1x40xi32, #tpu.memory_space<vmem>> -> memref<40xi32, #tpu.memory_space<vmem>>
      %dma_start3A_273 = arith.constant 0 : i32
      %dma_start3A_274 = arith.constant 0 : i32
      %dma_start3A_275 = tpu.memref_slice %arg3[%dma_start3A_273, %dma_start3A_274] : memref<1000000x64xf32, #tpu.memory_space<hbm>> -> memref<1000000x64xf32, #tpu.memory_space<hbm>>
      tpu.enqueue_indirect_dma source(%dma_start3A_275 : memref<1000000x64xf32, #tpu.memory_space<hbm>>) target(%dma_start3A_269 : memref<40x64xf32, #tpu.memory_space<vmem>>) offsets(%dma_start3A_272 : memref<40xi32, #tpu.memory_space<vmem>>) semaphore(%arg15 : memref<!tpu.dma_semaphore, #tpu.memory_space<semaphore_mem>>)
      %mul3A_276 = arith.constant 4 : i32
      %mul3A_277 = arith.muli %scan3A_182, %mul3A_276 : i32
      %add3A_278 = arith.constant 1 : i32
      %add3A_279 = arith.addi %mul3A_277, %add3A_278 : i32
      %dma_wait3A_280 = arith.constant 0 : i32
      %dma_wait3A_281 = arith.constant 0 : i32
      %dma_wait3A_282 = tpu.memref_slice %arg5[%dma_wait3A_280, %dma_wait3A_281] : memref<819200x64xf32, #tpu.memory_space<hbm>> -> memref<200x64xf32, #tpu.memory_space<hbm>>
      %dma_wait3A_283 = arith.constant 0 : i32
      %dma_wait3A_284 = arith.constant 0 : i32
      %dma_wait3A_285 = tpu.memref_slice %arg5[%dma_wait3A_283, %dma_wait3A_284] : memref<819200x64xf32, #tpu.memory_space<hbm>> -> memref<200x64xf32, #tpu.memory_space<hbm>>
      tpu.wait_dma2 semaphore(%arg13 : memref<!tpu.dma_semaphore, #tpu.memory_space<semaphore_mem>>) src(%dma_wait3A_285 : memref<200x64xf32, #tpu.memory_space<hbm>>) dst(%arg9 : memref<200x64xf32, #tpu.memory_space<vmem>>)
      %scan3A_286 = arith.constant 0 : i32
      %scan3A_287 = arith.constant 0 : i32
      %scan3A_288 = arith.constant 50 : i32
      %scan3A_289 = arith.addi %scan3A_287, %scan3A_288 : i32
      %scan3A_290 = arith.constant 1 : i32
      scf.for %scan3A_359 = %scan3A_287 to %scan3A_289 step %scan3A_290  : i32 {
        %mul3A_360 = arith.constant 4 : i32
        %mul3A_361 = arith.muli %scan3A_359, %mul3A_360 : i32
        %add3A_362 = arith.constant 0 : i32
        %add3A_363 = arith.addi %mul3A_361, %add3A_362 : i32
        %add3A_364 = arith.constant 0 : i32
        %add3A_365 = arith.addi %mul3A_361, %add3A_364 : i32
        %get3A = arith.index_cast %add3A_365 : i32 to index
        %get3A_366 = arith.constant 0 : index
        %get3A_367 = tpu.vector_load %arg7[%get3A, %get3A_366] {strides = array<i32>} : memref<200x64xf32, #tpu.memory_space<vmem>>, vector<1x16xf32>,
        %get3A_368 = vector.shape_cast %get3A_367 : vector<1x16xf32> to vector<16xf32>
        %swap3A = arith.index_cast %add3A_363 : i32 to index
        %swap3A_369 = arith.constant 0 : index
        %swap3A_370 = tpu.vector_load %arg9[%swap3A, %swap3A_369] {strides = array<i32>} : memref<200x64xf32, #tpu.memory_space<vmem>>, vector<1x16xf32>,
        %swap3A_371 = vector.shape_cast %swap3A_370 : vector<1x16xf32> to vector<16xf32>
        %swap3A_372 = vector.shape_cast %get3A_368 : vector<16xf32> to vector<1x16xf32>
        tpu.vector_store %arg9[%swap3A, %swap3A_369], %swap3A_372 {add = true, strides = array<i32>} : memref<200x64xf32, #tpu.memory_space<vmem>>, vector<1x16xf32>,
        %add3A_373 = arith.constant 0 : i32
        %add3A_374 = arith.addi %mul3A_361, %add3A_373 : i32
        %add3A_375 = arith.constant 0 : i32
        %add3A_376 = arith.addi %mul3A_361, %add3A_375 : i32
        %get3A_377 = arith.index_cast %add3A_376 : i32 to index
        %get3A_378 = arith.constant 16 : index
        %get3A_379 = tpu.vector_load %arg7[%get3A_377, %get3A_378] {strides = array<i32>} : memref<200x64xf32, #tpu.memory_space<vmem>>, vector<1x16xf32>,
        %get3A_380 = vector.shape_cast %get3A_379 : vector<1x16xf32> to vector<16xf32>
        %swap3A_381 = arith.index_cast %add3A_374 : i32 to index
        %swap3A_382 = arith.constant 16 : index
        %swap3A_383 = tpu.vector_load %arg9[%swap3A_381, %swap3A_382] {strides = array<i32>} : memref<200x64xf32, #tpu.memory_space<vmem>>, vector<1x16xf32>,
        %swap3A_384 = vector.shape_cast %swap3A_383 : vector<1x16xf32> to vector<16xf32>
        %swap3A_385 = vector.shape_cast %get3A_380 : vector<16xf32> to vector<1x16xf32>
        tpu.vector_store %arg9[%swap3A_381, %swap3A_382], %swap3A_385 {add = true, strides = array<i32>} : memref<200x64xf32, #tpu.memory_space<vmem>>, vector<1x16xf32>,
        %add3A_386 = arith.constant 0 : i32
        %add3A_387 = arith.addi %mul3A_361, %add3A_386 : i32
        %add3A_388 = arith.constant 0 : i32
        %add3A_389 = arith.addi %mul3A_361, %add3A_388 : i32
        %get3A_390 = arith.index_cast %add3A_389 : i32 to index
        %get3A_391 = arith.constant 32 : index
        %get3A_392 = tpu.vector_load %arg7[%get3A_390, %get3A_391] {strides = array<i32>} : memref<200x64xf32, #tpu.memory_space<vmem>>, vector<1x16xf32>,
        %get3A_393 = vector.shape_cast %get3A_392 : vector<1x16xf32> to vector<16xf32>
        %swap3A_394 = arith.index_cast %add3A_387 : i32 to index
        %swap3A_395 = arith.constant 32 : index
        %swap3A_396 = tpu.vector_load %arg9[%swap3A_394, %swap3A_395] {strides = array<i32>} : memref<200x64xf32, #tpu.memory_space<vmem>>, vector<1x16xf32>,
        %swap3A_397 = vector.shape_cast %swap3A_396 : vector<1x16xf32> to vector<16xf32>
        %swap3A_398 = vector.shape_cast %get3A_393 : vector<16xf32> to vector<1x16xf32>
        tpu.vector_store %arg9[%swap3A_394, %swap3A_395], %swap3A_398 {add = true, strides = array<i32>} : memref<200x64xf32, #tpu.memory_space<vmem>>, vector<1x16xf32>,
        %add3A_399 = arith.constant 0 : i32
        %add3A_400 = arith.addi %mul3A_361, %add3A_399 : i32
        %add3A_401 = arith.constant 0 : i32
        %add3A_402 = arith.addi %mul3A_361, %add3A_401 : i32
        %get3A_403 = arith.index_cast %add3A_402 : i32 to index
        %get3A_404 = arith.constant 48 : index
        %get3A_405 = tpu.vector_load %arg7[%get3A_403, %get3A_404] {strides = array<i32>} : memref<200x64xf32, #tpu.memory_space<vmem>>, vector<1x16xf32>,
        %get3A_406 = vector.shape_cast %get3A_405 : vector<1x16xf32> to vector<16xf32>
        %swap3A_407 = arith.index_cast %add3A_400 : i32 to index
        %swap3A_408 = arith.constant 48 : index
        %swap3A_409 = tpu.vector_load %arg9[%swap3A_407, %swap3A_408] {strides = array<i32>} : memref<200x64xf32, #tpu.memory_space<vmem>>, vector<1x16xf32>,
        %swap3A_410 = vector.shape_cast %swap3A_409 : vector<1x16xf32> to vector<16xf32>
        %swap3A_411 = vector.shape_cast %get3A_406 : vector<16xf32> to vector<1x16xf32>
        tpu.vector_store %arg9[%swap3A_407, %swap3A_408], %swap3A_411 {add = true, strides = array<i32>} : memref<200x64xf32, #tpu.memory_space<vmem>>, vector<1x16xf32>,
        %add3A_412 = arith.constant 1 : i32
        %add3A_413 = arith.addi %mul3A_361, %add3A_412 : i32
        %add3A_414 = arith.constant 1 : i32
        %add3A_415 = arith.addi %mul3A_361, %add3A_414 : i32
        %get3A_416 = arith.index_cast %add3A_415 : i32 to index
        %get3A_417 = arith.constant 0 : index
        %get3A_418 = tpu.vector_load %arg7[%get3A_416, %get3A_417] {strides = array<i32>} : memref<200x64xf32, #tpu.memory_space<vmem>>, vector<1x16xf32>,
        %get3A_419 = vector.shape_cast %get3A_418 : vector<1x16xf32> to vector<16xf32>
        %swap3A_420 = arith.index_cast %add3A_413 : i32 to index
        %swap3A_421 = arith.constant 0 : index
        %swap3A_422 = tpu.vector_load %arg9[%swap3A_420, %swap3A_421] {strides = array<i32>} : memref<200x64xf32, #tpu.memory_space<vmem>>, vector<1x16xf32>,
        %swap3A_423 = vector.shape_cast %swap3A_422 : vector<1x16xf32> to vector<16xf32>
        %swap3A_424 = vector.shape_cast %get3A_419 : vector<16xf32> to vector<1x16xf32>
        tpu.vector_store %arg9[%swap3A_420, %swap3A_421], %swap3A_424 {add = true, strides = array<i32>} : memref<200x64xf32, #tpu.memory_space<vmem>>, vector<1x16xf32>,
        %add3A_425 = arith.constant 1 : i32
        %add3A_426 = arith.addi %mul3A_361, %add3A_425 : i32
        %add3A_427 = arith.constant 1 : i32
        %add3A_428 = arith.addi %mul3A_361, %add3A_427 : i32
        %get3A_429 = arith.index_cast %add3A_428 : i32 to index
        %get3A_430 = arith.constant 16 : index
        %get3A_431 = tpu.vector_load %arg7[%get3A_429, %get3A_430] {strides = array<i32>} : memref<200x64xf32, #tpu.memory_space<vmem>>, vector<1x16xf32>,
        %get3A_432 = vector.shape_cast %get3A_431 : vector<1x16xf32> to vector<16xf32>
        %swap3A_433 = arith.index_cast %add3A_426 : i32 to index
        %swap3A_434 = arith.constant 16 : index
        %swap3A_435 = tpu.vector_load %arg9[%swap3A_433, %swap3A_434] {strides = array<i32>} : memref<200x64xf32, #tpu.memory_space<vmem>>, vector<1x16xf32>,
        %swap3A_436 = vector.shape_cast %swap3A_435 : vector<1x16xf32> to vector<16xf32>
        %swap3A_437 = vector.shape_cast %get3A_432 : vector<16xf32> to vector<1x16xf32>
        tpu.vector_store %arg9[%swap3A_433, %swap3A_434], %swap3A_437 {add = true, strides = array<i32>} : memref<200x64xf32, #tpu.memory_space<vmem>>, vector<1x16xf32>,
        %add3A_438 = arith.constant 1 : i32
        %add3A_439 = arith.addi %mul3A_361, %add3A_438 : i32
        %add3A_440 = arith.constant 1 : i32
        %add3A_441 = arith.addi %mul3A_361, %add3A_440 : i32
        %get3A_442 = arith.index_cast %add3A_441 : i32 to index
        %get3A_443 = arith.constant 32 : index
        %get3A_444 = tpu.vector_load %arg7[%get3A_442, %get3A_443] {strides = array<i32>} : memref<200x64xf32, #tpu.memory_space<vmem>>, vector<1x16xf32>,
        %get3A_445 = vector.shape_cast %get3A_444 : vector<1x16xf32> to vector<16xf32>
        %swap3A_446 = arith.index_cast %add3A_439 : i32 to index
        %swap3A_447 = arith.constant 32 : index
        %swap3A_448 = tpu.vector_load %arg9[%swap3A_446, %swap3A_447] {strides = array<i32>} : memref<200x64xf32, #tpu.memory_space<vmem>>, vector<1x16xf32>,
        %swap3A_449 = vector.shape_cast %swap3A_448 : vector<1x16xf32> to vector<16xf32>
        %swap3A_450 = vector.shape_cast %get3A_445 : vector<16xf32> to vector<1x16xf32>
        tpu.vector_store %arg9[%swap3A_446, %swap3A_447], %swap3A_450 {add = true, strides = array<i32>} : memref<200x64xf32, #tpu.memory_space<vmem>>, vector<1x16xf32>,
        %add3A_451 = arith.constant 1 : i32
        %add3A_452 = arith.addi %mul3A_361, %add3A_451 : i32
        %add3A_453 = arith.constant 1 : i32
        %add3A_454 = arith.addi %mul3A_361, %add3A_453 : i32
        %get3A_455 = arith.index_cast %add3A_454 : i32 to index
        %get3A_456 = arith.constant 48 : index
        %get3A_457 = tpu.vector_load %arg7[%get3A_455, %get3A_456] {strides = array<i32>} : memref<200x64xf32, #tpu.memory_space<vmem>>, vector<1x16xf32>,
        %get3A_458 = vector.shape_cast %get3A_457 : vector<1x16xf32> to vector<16xf32>
        %swap3A_459 = arith.index_cast %add3A_452 : i32 to index
        %swap3A_460 = arith.constant 48 : index
        %swap3A_461 = tpu.vector_load %arg9[%swap3A_459, %swap3A_460] {strides = array<i32>} : memref<200x64xf32, #tpu.memory_space<vmem>>, vector<1x16xf32>,
        %swap3A_462 = vector.shape_cast %swap3A_461 : vector<1x16xf32> to vector<16xf32>
        %swap3A_463 = vector.shape_cast %get3A_458 : vector<16xf32> to vector<1x16xf32>
        tpu.vector_store %arg9[%swap3A_459, %swap3A_460], %swap3A_463 {add = true, strides = array<i32>} : memref<200x64xf32, #tpu.memory_space<vmem>>, vector<1x16xf32>,
        %add3A_464 = arith.constant 2 : i32
        %add3A_465 = arith.addi %mul3A_361, %add3A_464 : i32
        %add3A_466 = arith.constant 2 : i32
        %add3A_467 = arith.addi %mul3A_361, %add3A_466 : i32
        %get3A_468 = arith.index_cast %add3A_467 : i32 to index
        %get3A_469 = arith.constant 0 : index
        %get3A_470 = tpu.vector_load %arg7[%get3A_468, %get3A_469] {strides = array<i32>} : memref<200x64xf32, #tpu.memory_space<vmem>>, vector<1x16xf32>,
        %get3A_471 = vector.shape_cast %get3A_470 : vector<1x16xf32> to vector<16xf32>
        %swap3A_472 = arith.index_cast %add3A_465 : i32 to index
        %swap3A_473 = arith.constant 0 : index
        %swap3A_474 = tpu.vector_load %arg9[%swap3A_472, %swap3A_473] {strides = array<i32>} : memref<200x64xf32, #tpu.memory_space<vmem>>, vector<1x16xf32>,
        %swap3A_475 = vector.shape_cast %swap3A_474 : vector<1x16xf32> to vector<16xf32>
        %swap3A_476 = vector.shape_cast %get3A_471 : vector<16xf32> to vector<1x16xf32>
        tpu.vector_store %arg9[%swap3A_472, %swap3A_473], %swap3A_476 {add = true, strides = array<i32>} : memref<200x64xf32, #tpu.memory_space<vmem>>, vector<1x16xf32>,
        %add3A_477 = arith.constant 2 : i32
        %add3A_478 = arith.addi %mul3A_361, %add3A_477 : i32
        %add3A_479 = arith.constant 2 : i32
        %add3A_480 = arith.addi %mul3A_361, %add3A_479 : i32
        %get3A_481 = arith.index_cast %add3A_480 : i32 to index
        %get3A_482 = arith.constant 16 : index
        %get3A_483 = tpu.vector_load %arg7[%get3A_481, %get3A_482] {strides = array<i32>} : memref<200x64xf32, #tpu.memory_space<vmem>>, vector<1x16xf32>,
        %get3A_484 = vector.shape_cast %get3A_483 : vector<1x16xf32> to vector<16xf32>
        %swap3A_485 = arith.index_cast %add3A_478 : i32 to index
        %swap3A_486 = arith.constant 16 : index
        %swap3A_487 = tpu.vector_load %arg9[%swap3A_485, %swap3A_486] {strides = array<i32>} : memref<200x64xf32, #tpu.memory_space<vmem>>, vector<1x16xf32>,
        %swap3A_488 = vector.shape_cast %swap3A_487 : vector<1x16xf32> to vector<16xf32>
        %swap3A_489 = vector.shape_cast %get3A_484 : vector<16xf32> to vector<1x16xf32>
        tpu.vector_store %arg9[%swap3A_485, %swap3A_486], %swap3A_489 {add = true, strides = array<i32>} : memref<200x64xf32, #tpu.memory_space<vmem>>, vector<1x16xf32>,
        %add3A_490 = arith.constant 2 : i32
        %add3A_491 = arith.addi %mul3A_361, %add3A_490 : i32
        %add3A_492 = arith.constant 2 : i32
        %add3A_493 = arith.addi %mul3A_361, %add3A_492 : i32
        %get3A_494 = arith.index_cast %add3A_493 : i32 to index
        %get3A_495 = arith.constant 32 : index
        %get3A_496 = tpu.vector_load %arg7[%get3A_494, %get3A_495] {strides = array<i32>} : memref<200x64xf32, #tpu.memory_space<vmem>>, vector<1x16xf32>,
        %get3A_497 = vector.shape_cast %get3A_496 : vector<1x16xf32> to vector<16xf32>
        %swap3A_498 = arith.index_cast %add3A_491 : i32 to index
        %swap3A_499 = arith.constant 32 : index
        %swap3A_500 = tpu.vector_load %arg9[%swap3A_498, %swap3A_499] {strides = array<i32>} : memref<200x64xf32, #tpu.memory_space<vmem>>, vector<1x16xf32>,
        %swap3A_501 = vector.shape_cast %swap3A_500 : vector<1x16xf32> to vector<16xf32>
        %swap3A_502 = vector.shape_cast %get3A_497 : vector<16xf32> to vector<1x16xf32>
        tpu.vector_store %arg9[%swap3A_498, %swap3A_499], %swap3A_502 {add = true, strides = array<i32>} : memref<200x64xf32, #tpu.memory_space<vmem>>, vector<1x16xf32>,
        %add3A_503 = arith.constant 2 : i32
        %add3A_504 = arith.addi %mul3A_361, %add3A_503 : i32
        %add3A_505 = arith.constant 2 : i32
        %add3A_506 = arith.addi %mul3A_361, %add3A_505 : i32
        %get3A_507 = arith.index_cast %add3A_506 : i32 to index
        %get3A_508 = arith.constant 48 : index
        %get3A_509 = tpu.vector_load %arg7[%get3A_507, %get3A_508] {strides = array<i32>} : memref<200x64xf32, #tpu.memory_space<vmem>>, vector<1x16xf32>,
        %get3A_510 = vector.shape_cast %get3A_509 : vector<1x16xf32> to vector<16xf32>
        %swap3A_511 = arith.index_cast %add3A_504 : i32 to index
        %swap3A_512 = arith.constant 48 : index
        %swap3A_513 = tpu.vector_load %arg9[%swap3A_511, %swap3A_512] {strides = array<i32>} : memref<200x64xf32, #tpu.memory_space<vmem>>, vector<1x16xf32>,
        %swap3A_514 = vector.shape_cast %swap3A_513 : vector<1x16xf32> to vector<16xf32>
        %swap3A_515 = vector.shape_cast %get3A_510 : vector<16xf32> to vector<1x16xf32>
        tpu.vector_store %arg9[%swap3A_511, %swap3A_512], %swap3A_515 {add = true, strides = array<i32>} : memref<200x64xf32, #tpu.memory_space<vmem>>, vector<1x16xf32>,
        %add3A_516 = arith.constant 3 : i32
        %add3A_517 = arith.addi %mul3A_361, %add3A_516 : i32
        %add3A_518 = arith.constant 3 : i32
        %add3A_519 = arith.addi %mul3A_361, %add3A_518 : i32
        %get3A_520 = arith.index_cast %add3A_519 : i32 to index
        %get3A_521 = arith.constant 0 : index
        %get3A_522 = tpu.vector_load %arg7[%get3A_520, %get3A_521] {strides = array<i32>} : memref<200x64xf32, #tpu.memory_space<vmem>>, vector<1x16xf32>,
        %get3A_523 = vector.shape_cast %get3A_522 : vector<1x16xf32> to vector<16xf32>
        %swap3A_524 = arith.index_cast %add3A_517 : i32 to index
        %swap3A_525 = arith.constant 0 : index
        %swap3A_526 = tpu.vector_load %arg9[%swap3A_524, %swap3A_525] {strides = array<i32>} : memref<200x64xf32, #tpu.memory_space<vmem>>, vector<1x16xf32>,
        %swap3A_527 = vector.shape_cast %swap3A_526 : vector<1x16xf32> to vector<16xf32>
        %swap3A_528 = vector.shape_cast %get3A_523 : vector<16xf32> to vector<1x16xf32>
        tpu.vector_store %arg9[%swap3A_524, %swap3A_525], %swap3A_528 {add = true, strides = array<i32>} : memref<200x64xf32, #tpu.memory_space<vmem>>, vector<1x16xf32>,
        %add3A_529 = arith.constant 3 : i32
        %add3A_530 = arith.addi %mul3A_361, %add3A_529 : i32
        %add3A_531 = arith.constant 3 : i32
        %add3A_532 = arith.addi %mul3A_361, %add3A_531 : i32
        %get3A_533 = arith.index_cast %add3A_532 : i32 to index
        %get3A_534 = arith.constant 16 : index
        %get3A_535 = tpu.vector_load %arg7[%get3A_533, %get3A_534] {strides = array<i32>} : memref<200x64xf32, #tpu.memory_space<vmem>>, vector<1x16xf32>,
        %get3A_536 = vector.shape_cast %get3A_535 : vector<1x16xf32> to vector<16xf32>
        %swap3A_537 = arith.index_cast %add3A_530 : i32 to index
        %swap3A_538 = arith.constant 16 : index
        %swap3A_539 = tpu.vector_load %arg9[%swap3A_537, %swap3A_538] {strides = array<i32>} : memref<200x64xf32, #tpu.memory_space<vmem>>, vector<1x16xf32>,
        %swap3A_540 = vector.shape_cast %swap3A_539 : vector<1x16xf32> to vector<16xf32>
        %swap3A_541 = vector.shape_cast %get3A_536 : vector<16xf32> to vector<1x16xf32>
        tpu.vector_store %arg9[%swap3A_537, %swap3A_538], %swap3A_541 {add = true, strides = array<i32>} : memref<200x64xf32, #tpu.memory_space<vmem>>, vector<1x16xf32>,
        %add3A_542 = arith.constant 3 : i32
        %add3A_543 = arith.addi %mul3A_361, %add3A_542 : i32
        %add3A_544 = arith.constant 3 : i32
        %add3A_545 = arith.addi %mul3A_361, %add3A_544 : i32
        %get3A_546 = arith.index_cast %add3A_545 : i32 to index
        %get3A_547 = arith.constant 32 : index
        %get3A_548 = tpu.vector_load %arg7[%get3A_546, %get3A_547] {strides = array<i32>} : memref<200x64xf32, #tpu.memory_space<vmem>>, vector<1x16xf32>,
        %get3A_549 = vector.shape_cast %get3A_548 : vector<1x16xf32> to vector<16xf32>
        %swap3A_550 = arith.index_cast %add3A_543 : i32 to index
        %swap3A_551 = arith.constant 32 : index
        %swap3A_552 = tpu.vector_load %arg9[%swap3A_550, %swap3A_551] {strides = array<i32>} : memref<200x64xf32, #tpu.memory_space<vmem>>, vector<1x16xf32>,
        %swap3A_553 = vector.shape_cast %swap3A_552 : vector<1x16xf32> to vector<16xf32>
        %swap3A_554 = vector.shape_cast %get3A_549 : vector<16xf32> to vector<1x16xf32>
        tpu.vector_store %arg9[%swap3A_550, %swap3A_551], %swap3A_554 {add = true, strides = array<i32>} : memref<200x64xf32, #tpu.memory_space<vmem>>, vector<1x16xf32>,
        %add3A_555 = arith.constant 3 : i32
        %add3A_556 = arith.addi %mul3A_361, %add3A_555 : i32
        %add3A_557 = arith.constant 3 : i32
        %add3A_558 = arith.addi %mul3A_361, %add3A_557 : i32
        %get3A_559 = arith.index_cast %add3A_558 : i32 to index
        %get3A_560 = arith.constant 48 : index
        %get3A_561 = tpu.vector_load %arg7[%get3A_559, %get3A_560] {strides = array<i32>} : memref<200x64xf32, #tpu.memory_space<vmem>>, vector<1x16xf32>,
        %get3A_562 = vector.shape_cast %get3A_561 : vector<1x16xf32> to vector<16xf32>
        %swap3A_563 = arith.index_cast %add3A_556 : i32 to index
        %swap3A_564 = arith.constant 48 : index
        %swap3A_565 = tpu.vector_load %arg9[%swap3A_563, %swap3A_564] {strides = array<i32>} : memref<200x64xf32, #tpu.memory_space<vmem>>, vector<1x16xf32>,
        %swap3A_566 = vector.shape_cast %swap3A_565 : vector<1x16xf32> to vector<16xf32>
        %swap3A_567 = vector.shape_cast %get3A_562 : vector<16xf32> to vector<1x16xf32>
        tpu.vector_store %arg9[%swap3A_563, %swap3A_564], %swap3A_567 {add = true, strides = array<i32>} : memref<200x64xf32, #tpu.memory_space<vmem>>, vector<1x16xf32>,
      }
      %scan3A_291 = arith.constant 50 : i32
      %mul3A_292 = arith.constant 200 : i32
      %mul3A_293 = arith.muli %add3A_279, %mul3A_292 : i32
      %add3A_294 = arith.addi %mul3A_4, %mul3A_293 : i32
      %dma_start3A_295 = arith.constant 0 : i32
      %dma_start3A_296 = tpu.memref_slice %arg5[%add3A_294, %dma_start3A_295] : memref<819200x64xf32, #tpu.memory_space<hbm>> -> memref<200x64xf32, #tpu.memory_space<hbm>>
      %dma_start3A_297 = arith.constant 0 : i32
      %dma_start3A_298 = tpu.memref_slice %arg5[%add3A_294, %dma_start3A_297] : memref<819200x64xf32, #tpu.memory_space<hbm>> -> memref<200x64xf32, #tpu.memory_space<hbm>>
      tpu.enqueue_dma source(%arg9 : memref<200x64xf32, #tpu.memory_space<vmem>>) target(%dma_start3A_298 : memref<200x64xf32, #tpu.memory_space<hbm>>) target_semaphore(%arg17 : memref<!tpu.dma_semaphore, #tpu.memory_space<semaphore_mem>>)
      %lt3A = arith.constant 31 : i32
      %lt3A_299 = arith.cmpi slt, %scan3A_182, %lt3A : i32
      %convert_element_type3A_300 = arith.extui %lt3A_299 : i1 to i32
      %cond3A_301 = arith.constant 0 : i32
      %cond3A_302 = arith.cmpi ne, %convert_element_type3A_300, %cond3A_301 : i32
      scf.if %cond3A_302 {
        %dma_wait3A_359 = arith.constant 0 : i32
        %dma_wait3A_360 = arith.constant 0 : i32
        %dma_wait3A_361 = tpu.memref_slice %arg5[%dma_wait3A_359, %dma_wait3A_360] : memref<819200x64xf32, #tpu.memory_space<hbm>> -> memref<200x64xf32, #tpu.memory_space<hbm>>
        %dma_wait3A_362 = arith.constant 0 : i32
        %dma_wait3A_363 = arith.constant 0 : i32
        %dma_wait3A_364 = tpu.memref_slice %arg5[%dma_wait3A_362, %dma_wait3A_363] : memref<819200x64xf32, #tpu.memory_space<hbm>> -> memref<200x64xf32, #tpu.memory_space<hbm>>
        tpu.wait_dma2 semaphore(%arg16 : memref<!tpu.dma_semaphore, #tpu.memory_space<semaphore_mem>>) src(%arg8 : memref<200x64xf32, #tpu.memory_space<vmem>>) dst(%dma_wait3A_364 : memref<200x64xf32, #tpu.memory_space<hbm>>)
        %add3A_365 = arith.constant 4 : i32
        %add3A_366 = arith.addi %add3A_279, %add3A_365 : i32
        %sub3A_367 = arith.constant 1 : i32
        %sub3A_368 = arith.subi %add3A_366, %sub3A_367 : i32
        %mul3A_369 = arith.constant 5 : i32
        %mul3A_370 = arith.muli %sub3A_368, %mul3A_369 : i32
        %add3A_371 = arith.constant 0 : i32
        %add3A_372 = arith.addi %mul3A_370, %add3A_371 : i32
        %dma_start3A_373 = arith.constant 0 : i32
        %dma_start3A_374 = arith.constant 0 : i32
        %dma_start3A_375 = tpu.memref_slice %arg8[%dma_start3A_373, %dma_start3A_374] : memref<200x64xf32, #tpu.memory_space<vmem>> -> memref<40x64xf32, #tpu.memory_space<vmem>>
        %dma_start3A_376 = arith.constant 0 : i32
        %dma_start3A_377 = tpu.memref_slice %arg6[%add3A_372, %dma_start3A_376] : memref<640x40xi32, #tpu.memory_space<vmem>> -> memref<1x40xi32, #tpu.memory_space<vmem>>
        %dma_start3A_378 = tpu.memref_squeeze %dma_start3A_377 : memref<1x40xi32, #tpu.memory_space<vmem>> -> memref<40xi32, #tpu.memory_space<vmem>>
        %dma_start3A_379 = arith.constant 0 : i32
        %dma_start3A_380 = arith.constant 0 : i32
        %dma_start3A_381 = tpu.memref_slice %arg3[%dma_start3A_379, %dma_start3A_380] : memref<1000000x64xf32, #tpu.memory_space<hbm>> -> memref<1000000x64xf32, #tpu.memory_space<hbm>>
        tpu.enqueue_indirect_dma source(%dma_start3A_381 : memref<1000000x64xf32, #tpu.memory_space<hbm>>) target(%dma_start3A_375 : memref<40x64xf32, #tpu.memory_space<vmem>>) offsets(%dma_start3A_378 : memref<40xi32, #tpu.memory_space<vmem>>) semaphore(%arg12 : memref<!tpu.dma_semaphore, #tpu.memory_space<semaphore_mem>>)
        %mul3A_382 = arith.constant 5 : i32
        %mul3A_383 = arith.muli %sub3A_368, %mul3A_382 : i32
        %add3A_384 = arith.constant 1 : i32
        %add3A_385 = arith.addi %mul3A_383, %add3A_384 : i32
        %dma_start3A_386 = arith.constant 40 : i32
        %dma_start3A_387 = arith.constant 0 : i32
        %dma_start3A_388 = tpu.memref_slice %arg8[%dma_start3A_386, %dma_start3A_387] : memref<200x64xf32, #tpu.memory_space<vmem>> -> memref<40x64xf32, #tpu.memory_space<vmem>>
        %dma_start3A_389 = arith.constant 0 : i32
        %dma_start3A_390 = tpu.memref_slice %arg6[%add3A_385, %dma_start3A_389] : memref<640x40xi32, #tpu.memory_space<vmem>> -> memref<1x40xi32, #tpu.memory_space<vmem>>
        %dma_start3A_391 = tpu.memref_squeeze %dma_start3A_390 : memref<1x40xi32, #tpu.memory_space<vmem>> -> memref<40xi32, #tpu.memory_space<vmem>>
        %dma_start3A_392 = arith.constant 0 : i32
        %dma_start3A_393 = arith.constant 0 : i32
        %dma_start3A_394 = tpu.memref_slice %arg3[%dma_start3A_392, %dma_start3A_393] : memref<1000000x64xf32, #tpu.memory_space<hbm>> -> memref<1000000x64xf32, #tpu.memory_space<hbm>>
        tpu.enqueue_indirect_dma source(%dma_start3A_394 : memref<1000000x64xf32, #tpu.memory_space<hbm>>) target(%dma_start3A_388 : memref<40x64xf32, #tpu.memory_space<vmem>>) offsets(%dma_start3A_391 : memref<40xi32, #tpu.memory_space<vmem>>) semaphore(%arg12 : memref<!tpu.dma_semaphore, #tpu.memory_space<semaphore_mem>>)
        %mul3A_395 = arith.constant 5 : i32
        %mul3A_396 = arith.muli %sub3A_368, %mul3A_395 : i32
        %add3A_397 = arith.constant 2 : i32
        %add3A_398 = arith.addi %mul3A_396, %add3A_397 : i32
        %dma_start3A_399 = arith.constant 80 : i32
        %dma_start3A_400 = arith.constant 0 : i32
        %dma_start3A_401 = tpu.memref_slice %arg8[%dma_start3A_399, %dma_start3A_400] : memref<200x64xf32, #tpu.memory_space<vmem>> -> memref<40x64xf32, #tpu.memory_space<vmem>>
        %dma_start3A_402 = arith.constant 0 : i32
        %dma_start3A_403 = tpu.memref_slice %arg6[%add3A_398, %dma_start3A_402] : memref<640x40xi32, #tpu.memory_space<vmem>> -> memref<1x40xi32, #tpu.memory_space<vmem>>
        %dma_start3A_404 = tpu.memref_squeeze %dma_start3A_403 : memref<1x40xi32, #tpu.memory_space<vmem>> -> memref<40xi32, #tpu.memory_space<vmem>>
        %dma_start3A_405 = arith.constant 0 : i32
        %dma_start3A_406 = arith.constant 0 : i32
        %dma_start3A_407 = tpu.memref_slice %arg3[%dma_start3A_405, %dma_start3A_406] : memref<1000000x64xf32, #tpu.memory_space<hbm>> -> memref<1000000x64xf32, #tpu.memory_space<hbm>>
        tpu.enqueue_indirect_dma source(%dma_start3A_407 : memref<1000000x64xf32, #tpu.memory_space<hbm>>) target(%dma_start3A_401 : memref<40x64xf32, #tpu.memory_space<vmem>>) offsets(%dma_start3A_404 : memref<40xi32, #tpu.memory_space<vmem>>) semaphore(%arg12 : memref<!tpu.dma_semaphore, #tpu.memory_space<semaphore_mem>>)
        %mul3A_408 = arith.constant 5 : i32
        %mul3A_409 = arith.muli %sub3A_368, %mul3A_408 : i32
        %add3A_410 = arith.constant 3 : i32
        %add3A_411 = arith.addi %mul3A_409, %add3A_410 : i32
        %dma_start3A_412 = arith.constant 120 : i32
        %dma_start3A_413 = arith.constant 0 : i32
        %dma_start3A_414 = tpu.memref_slice %arg8[%dma_start3A_412, %dma_start3A_413] : memref<200x64xf32, #tpu.memory_space<vmem>> -> memref<40x64xf32, #tpu.memory_space<vmem>>
        %dma_start3A_415 = arith.constant 0 : i32
        %dma_start3A_416 = tpu.memref_slice %arg6[%add3A_411, %dma_start3A_415] : memref<640x40xi32, #tpu.memory_space<vmem>> -> memref<1x40xi32, #tpu.memory_space<vmem>>
        %dma_start3A_417 = tpu.memref_squeeze %dma_start3A_416 : memref<1x40xi32, #tpu.memory_space<vmem>> -> memref<40xi32, #tpu.memory_space<vmem>>
        %dma_start3A_418 = arith.constant 0 : i32
        %dma_start3A_419 = arith.constant 0 : i32
        %dma_start3A_420 = tpu.memref_slice %arg3[%dma_start3A_418, %dma_start3A_419] : memref<1000000x64xf32, #tpu.memory_space<hbm>> -> memref<1000000x64xf32, #tpu.memory_space<hbm>>
        tpu.enqueue_indirect_dma source(%dma_start3A_420 : memref<1000000x64xf32, #tpu.memory_space<hbm>>) target(%dma_start3A_414 : memref<40x64xf32, #tpu.memory_space<vmem>>) offsets(%dma_start3A_417 : memref<40xi32, #tpu.memory_space<vmem>>) semaphore(%arg12 : memref<!tpu.dma_semaphore, #tpu.memory_space<semaphore_mem>>)
        %mul3A_421 = arith.constant 5 : i32
        %mul3A_422 = arith.muli %sub3A_368, %mul3A_421 : i32
        %add3A_423 = arith.constant 4 : i32
        %add3A_424 = arith.addi %mul3A_422, %add3A_423 : i32
        %dma_start3A_425 = arith.constant 160 : i32
        %dma_start3A_426 = arith.constant 0 : i32
        %dma_start3A_427 = tpu.memref_slice %arg8[%dma_start3A_425, %dma_start3A_426] : memref<200x64xf32, #tpu.memory_space<vmem>> -> memref<40x64xf32, #tpu.memory_space<vmem>>
        %dma_start3A_428 = arith.constant 0 : i32
        %dma_start3A_429 = tpu.memref_slice %arg6[%add3A_424, %dma_start3A_428] : memref<640x40xi32, #tpu.memory_space<vmem>> -> memref<1x40xi32, #tpu.memory_space<vmem>>
        %dma_start3A_430 = tpu.memref_squeeze %dma_start3A_429 : memref<1x40xi32, #tpu.memory_space<vmem>> -> memref<40xi32, #tpu.memory_space<vmem>>
        %dma_start3A_431 = arith.constant 0 : i32
        %dma_start3A_432 = arith.constant 0 : i32
        %dma_start3A_433 = tpu.memref_slice %arg3[%dma_start3A_431, %dma_start3A_432] : memref<1000000x64xf32, #tpu.memory_space<hbm>> -> memref<1000000x64xf32, #tpu.memory_space<hbm>>
        tpu.enqueue_indirect_dma source(%dma_start3A_433 : memref<1000000x64xf32, #tpu.memory_space<hbm>>) target(%dma_start3A_427 : memref<40x64xf32, #tpu.memory_space<vmem>>) offsets(%dma_start3A_430 : memref<40xi32, #tpu.memory_space<vmem>>) semaphore(%arg12 : memref<!tpu.dma_semaphore, #tpu.memory_space<semaphore_mem>>)
      } else {
      }
      %mul3A_303 = arith.constant 4 : i32
      %mul3A_304 = arith.muli %scan3A_182, %mul3A_303 : i32
      %add3A_305 = arith.constant 2 : i32
      %add3A_306 = arith.addi %mul3A_304, %add3A_305 : i32
      %dma_wait3A_307 = arith.constant 0 : i32
      %dma_wait3A_308 = arith.constant 0 : i32
      %dma_wait3A_309 = tpu.memref_slice %arg5[%dma_wait3A_307, %dma_wait3A_308] : memref<819200x64xf32, #tpu.memory_space<hbm>> -> memref<200x64xf32, #tpu.memory_space<hbm>>
      %dma_wait3A_310 = arith.constant 0 : i32
      %dma_wait3A_311 = arith.constant 0 : i32
      %dma_wait3A_312 = tpu.memref_slice %arg5[%dma_wait3A_310, %dma_wait3A_311] : memref<819200x64xf32, #tpu.memory_space<hbm>> -> memref<200x64xf32, #tpu.memory_space<hbm>>
      tpu.wait_dma2 semaphore(%arg14 : memref<!tpu.dma_semaphore, #tpu.memory_space<semaphore_mem>>) src(%dma_wait3A_312 : memref<200x64xf32, #tpu.memory_space<hbm>>) dst(%arg10 : memref<200x64xf32, #tpu.memory_space<vmem>>)
      %scan3A_313 = arith.constant 0 : i32
      %scan3A_314 = arith.constant 0 : i32
      %scan3A_315 = arith.constant 50 : i32
      %scan3A_316 = arith.addi %scan3A_314, %scan3A_315 : i32
      %scan3A_317 = arith.constant 1 : i32
      scf.for %scan3A_359 = %scan3A_314 to %scan3A_316 step %scan3A_317  : i32 {
        %mul3A_360 = arith.constant 4 : i32
        %mul3A_361 = arith.muli %scan3A_359, %mul3A_360 : i32
        %add3A_362 = arith.constant 0 : i32
        %add3A_363 = arith.addi %mul3A_361, %add3A_362 : i32
        %add3A_364 = arith.constant 0 : i32
        %add3A_365 = arith.addi %mul3A_361, %add3A_364 : i32
        %get3A = arith.index_cast %add3A_365 : i32 to index
        %get3A_366 = arith.constant 0 : index
        %get3A_367 = tpu.vector_load %arg7[%get3A, %get3A_366] {strides = array<i32>} : memref<200x64xf32, #tpu.memory_space<vmem>>, vector<1x16xf32>,
        %get3A_368 = vector.shape_cast %get3A_367 : vector<1x16xf32> to vector<16xf32>
        %swap3A = arith.index_cast %add3A_363 : i32 to index
        %swap3A_369 = arith.constant 0 : index
        %swap3A_370 = tpu.vector_load %arg10[%swap3A, %swap3A_369] {strides = array<i32>} : memref<200x64xf32, #tpu.memory_space<vmem>>, vector<1x16xf32>,
        %swap3A_371 = vector.shape_cast %swap3A_370 : vector<1x16xf32> to vector<16xf32>
        %swap3A_372 = vector.shape_cast %get3A_368 : vector<16xf32> to vector<1x16xf32>
        tpu.vector_store %arg10[%swap3A, %swap3A_369], %swap3A_372 {add = true, strides = array<i32>} : memref<200x64xf32, #tpu.memory_space<vmem>>, vector<1x16xf32>,
        %add3A_373 = arith.constant 0 : i32
        %add3A_374 = arith.addi %mul3A_361, %add3A_373 : i32
        %add3A_375 = arith.constant 0 : i32
        %add3A_376 = arith.addi %mul3A_361, %add3A_375 : i32
        %get3A_377 = arith.index_cast %add3A_376 : i32 to index
        %get3A_378 = arith.constant 16 : index
        %get3A_379 = tpu.vector_load %arg7[%get3A_377, %get3A_378] {strides = array<i32>} : memref<200x64xf32, #tpu.memory_space<vmem>>, vector<1x16xf32>,
        %get3A_380 = vector.shape_cast %get3A_379 : vector<1x16xf32> to vector<16xf32>
        %swap3A_381 = arith.index_cast %add3A_374 : i32 to index
        %swap3A_382 = arith.constant 16 : index
        %swap3A_383 = tpu.vector_load %arg10[%swap3A_381, %swap3A_382] {strides = array<i32>} : memref<200x64xf32, #tpu.memory_space<vmem>>, vector<1x16xf32>,
        %swap3A_384 = vector.shape_cast %swap3A_383 : vector<1x16xf32> to vector<16xf32>
        %swap3A_385 = vector.shape_cast %get3A_380 : vector<16xf32> to vector<1x16xf32>
        tpu.vector_store %arg10[%swap3A_381, %swap3A_382], %swap3A_385 {add = true, strides = array<i32>} : memref<200x64xf32, #tpu.memory_space<vmem>>, vector<1x16xf32>,
        %add3A_386 = arith.constant 0 : i32
        %add3A_387 = arith.addi %mul3A_361, %add3A_386 : i32
        %add3A_388 = arith.constant 0 : i32
        %add3A_389 = arith.addi %mul3A_361, %add3A_388 : i32
        %get3A_390 = arith.index_cast %add3A_389 : i32 to index
        %get3A_391 = arith.constant 32 : index
        %get3A_392 = tpu.vector_load %arg7[%get3A_390, %get3A_391] {strides = array<i32>} : memref<200x64xf32, #tpu.memory_space<vmem>>, vector<1x16xf32>,
        %get3A_393 = vector.shape_cast %get3A_392 : vector<1x16xf32> to vector<16xf32>
        %swap3A_394 = arith.index_cast %add3A_387 : i32 to index
        %swap3A_395 = arith.constant 32 : index
        %swap3A_396 = tpu.vector_load %arg10[%swap3A_394, %swap3A_395] {strides = array<i32>} : memref<200x64xf32, #tpu.memory_space<vmem>>, vector<1x16xf32>,
        %swap3A_397 = vector.shape_cast %swap3A_396 : vector<1x16xf32> to vector<16xf32>
        %swap3A_398 = vector.shape_cast %get3A_393 : vector<16xf32> to vector<1x16xf32>
        tpu.vector_store %arg10[%swap3A_394, %swap3A_395], %swap3A_398 {add = true, strides = array<i32>} : memref<200x64xf32, #tpu.memory_space<vmem>>, vector<1x16xf32>,
        %add3A_399 = arith.constant 0 : i32
        %add3A_400 = arith.addi %mul3A_361, %add3A_399 : i32
        %add3A_401 = arith.constant 0 : i32
        %add3A_402 = arith.addi %mul3A_361, %add3A_401 : i32
        %get3A_403 = arith.index_cast %add3A_402 : i32 to index
        %get3A_404 = arith.constant 48 : index
        %get3A_405 = tpu.vector_load %arg7[%get3A_403, %get3A_404] {strides = array<i32>} : memref<200x64xf32, #tpu.memory_space<vmem>>, vector<1x16xf32>,
        %get3A_406 = vector.shape_cast %get3A_405 : vector<1x16xf32> to vector<16xf32>
        %swap3A_407 = arith.index_cast %add3A_400 : i32 to index
        %swap3A_408 = arith.constant 48 : index
        %swap3A_409 = tpu.vector_load %arg10[%swap3A_407, %swap3A_408] {strides = array<i32>} : memref<200x64xf32, #tpu.memory_space<vmem>>, vector<1x16xf32>,
        %swap3A_410 = vector.shape_cast %swap3A_409 : vector<1x16xf32> to vector<16xf32>
        %swap3A_411 = vector.shape_cast %get3A_406 : vector<16xf32> to vector<1x16xf32>
        tpu.vector_store %arg10[%swap3A_407, %swap3A_408], %swap3A_411 {add = true, strides = array<i32>} : memref<200x64xf32, #tpu.memory_space<vmem>>, vector<1x16xf32>,
        %add3A_412 = arith.constant 1 : i32
        %add3A_413 = arith.addi %mul3A_361, %add3A_412 : i32
        %add3A_414 = arith.constant 1 : i32
        %add3A_415 = arith.addi %mul3A_361, %add3A_414 : i32
        %get3A_416 = arith.index_cast %add3A_415 : i32 to index
        %get3A_417 = arith.constant 0 : index
        %get3A_418 = tpu.vector_load %arg7[%get3A_416, %get3A_417] {strides = array<i32>} : memref<200x64xf32, #tpu.memory_space<vmem>>, vector<1x16xf32>,
        %get3A_419 = vector.shape_cast %get3A_418 : vector<1x16xf32> to vector<16xf32>
        %swap3A_420 = arith.index_cast %add3A_413 : i32 to index
        %swap3A_421 = arith.constant 0 : index
        %swap3A_422 = tpu.vector_load %arg10[%swap3A_420, %swap3A_421] {strides = array<i32>} : memref<200x64xf32, #tpu.memory_space<vmem>>, vector<1x16xf32>,
        %swap3A_423 = vector.shape_cast %swap3A_422 : vector<1x16xf32> to vector<16xf32>
        %swap3A_424 = vector.shape_cast %get3A_419 : vector<16xf32> to vector<1x16xf32>
        tpu.vector_store %arg10[%swap3A_420, %swap3A_421], %swap3A_424 {add = true, strides = array<i32>} : memref<200x64xf32, #tpu.memory_space<vmem>>, vector<1x16xf32>,
        %add3A_425 = arith.constant 1 : i32
        %add3A_426 = arith.addi %mul3A_361, %add3A_425 : i32
        %add3A_427 = arith.constant 1 : i32
        %add3A_428 = arith.addi %mul3A_361, %add3A_427 : i32
        %get3A_429 = arith.index_cast %add3A_428 : i32 to index
        %get3A_430 = arith.constant 16 : index
        %get3A_431 = tpu.vector_load %arg7[%get3A_429, %get3A_430] {strides = array<i32>} : memref<200x64xf32, #tpu.memory_space<vmem>>, vector<1x16xf32>,
        %get3A_432 = vector.shape_cast %get3A_431 : vector<1x16xf32> to vector<16xf32>
        %swap3A_433 = arith.index_cast %add3A_426 : i32 to index
        %swap3A_434 = arith.constant 16 : index
        %swap3A_435 = tpu.vector_load %arg10[%swap3A_433, %swap3A_434] {strides = array<i32>} : memref<200x64xf32, #tpu.memory_space<vmem>>, vector<1x16xf32>,
        %swap3A_436 = vector.shape_cast %swap3A_435 : vector<1x16xf32> to vector<16xf32>
        %swap3A_437 = vector.shape_cast %get3A_432 : vector<16xf32> to vector<1x16xf32>
        tpu.vector_store %arg10[%swap3A_433, %swap3A_434], %swap3A_437 {add = true, strides = array<i32>} : memref<200x64xf32, #tpu.memory_space<vmem>>, vector<1x16xf32>,
        %add3A_438 = arith.constant 1 : i32
        %add3A_439 = arith.addi %mul3A_361, %add3A_438 : i32
        %add3A_440 = arith.constant 1 : i32
        %add3A_441 = arith.addi %mul3A_361, %add3A_440 : i32
        %get3A_442 = arith.index_cast %add3A_441 : i32 to index
        %get3A_443 = arith.constant 32 : index
        %get3A_444 = tpu.vector_load %arg7[%get3A_442, %get3A_443] {strides = array<i32>} : memref<200x64xf32, #tpu.memory_space<vmem>>, vector<1x16xf32>,
        %get3A_445 = vector.shape_cast %get3A_444 : vector<1x16xf32> to vector<16xf32>
        %swap3A_446 = arith.index_cast %add3A_439 : i32 to index
        %swap3A_447 = arith.constant 32 : index
        %swap3A_448 = tpu.vector_load %arg10[%swap3A_446, %swap3A_447] {strides = array<i32>} : memref<200x64xf32, #tpu.memory_space<vmem>>, vector<1x16xf32>,
        %swap3A_449 = vector.shape_cast %swap3A_448 : vector<1x16xf32> to vector<16xf32>
        %swap3A_450 = vector.shape_cast %get3A_445 : vector<16xf32> to vector<1x16xf32>
        tpu.vector_store %arg10[%swap3A_446, %swap3A_447], %swap3A_450 {add = true, strides = array<i32>} : memref<200x64xf32, #tpu.memory_space<vmem>>, vector<1x16xf32>,
        %add3A_451 = arith.constant 1 : i32
        %add3A_452 = arith.addi %mul3A_361, %add3A_451 : i32
        %add3A_453 = arith.constant 1 : i32
        %add3A_454 = arith.addi %mul3A_361, %add3A_453 : i32
        %get3A_455 = arith.index_cast %add3A_454 : i32 to index
        %get3A_456 = arith.constant 48 : index
        %get3A_457 = tpu.vector_load %arg7[%get3A_455, %get3A_456] {strides = array<i32>} : memref<200x64xf32, #tpu.memory_space<vmem>>, vector<1x16xf32>,
        %get3A_458 = vector.shape_cast %get3A_457 : vector<1x16xf32> to vector<16xf32>
        %swap3A_459 = arith.index_cast %add3A_452 : i32 to index
        %swap3A_460 = arith.constant 48 : index
        %swap3A_461 = tpu.vector_load %arg10[%swap3A_459, %swap3A_460] {strides = array<i32>} : memref<200x64xf32, #tpu.memory_space<vmem>>, vector<1x16xf32>,
        %swap3A_462 = vector.shape_cast %swap3A_461 : vector<1x16xf32> to vector<16xf32>
        %swap3A_463 = vector.shape_cast %get3A_458 : vector<16xf32> to vector<1x16xf32>
        tpu.vector_store %arg10[%swap3A_459, %swap3A_460], %swap3A_463 {add = true, strides = array<i32>} : memref<200x64xf32, #tpu.memory_space<vmem>>, vector<1x16xf32>,
        %add3A_464 = arith.constant 2 : i32
        %add3A_465 = arith.addi %mul3A_361, %add3A_464 : i32
        %add3A_466 = arith.constant 2 : i32
        %add3A_467 = arith.addi %mul3A_361, %add3A_466 : i32
        %get3A_468 = arith.index_cast %add3A_467 : i32 to index
        %get3A_469 = arith.constant 0 : index
        %get3A_470 = tpu.vector_load %arg7[%get3A_468, %get3A_469] {strides = array<i32>} : memref<200x64xf32, #tpu.memory_space<vmem>>, vector<1x16xf32>,
        %get3A_471 = vector.shape_cast %get3A_470 : vector<1x16xf32> to vector<16xf32>
        %swap3A_472 = arith.index_cast %add3A_465 : i32 to index
        %swap3A_473 = arith.constant 0 : index
        %swap3A_474 = tpu.vector_load %arg10[%swap3A_472, %swap3A_473] {strides = array<i32>} : memref<200x64xf32, #tpu.memory_space<vmem>>, vector<1x16xf32>,
        %swap3A_475 = vector.shape_cast %swap3A_474 : vector<1x16xf32> to vector<16xf32>
        %swap3A_476 = vector.shape_cast %get3A_471 : vector<16xf32> to vector<1x16xf32>
        tpu.vector_store %arg10[%swap3A_472, %swap3A_473], %swap3A_476 {add = true, strides = array<i32>} : memref<200x64xf32, #tpu.memory_space<vmem>>, vector<1x16xf32>,
        %add3A_477 = arith.constant 2 : i32
        %add3A_478 = arith.addi %mul3A_361, %add3A_477 : i32
        %add3A_479 = arith.constant 2 : i32
        %add3A_480 = arith.addi %mul3A_361, %add3A_479 : i32
        %get3A_481 = arith.index_cast %add3A_480 : i32 to index
        %get3A_482 = arith.constant 16 : index
        %get3A_483 = tpu.vector_load %arg7[%get3A_481, %get3A_482] {strides = array<i32>} : memref<200x64xf32, #tpu.memory_space<vmem>>, vector<1x16xf32>,
        %get3A_484 = vector.shape_cast %get3A_483 : vector<1x16xf32> to vector<16xf32>
        %swap3A_485 = arith.index_cast %add3A_478 : i32 to index
        %swap3A_486 = arith.constant 16 : index
        %swap3A_487 = tpu.vector_load %arg10[%swap3A_485, %swap3A_486] {strides = array<i32>} : memref<200x64xf32, #tpu.memory_space<vmem>>, vector<1x16xf32>,
        %swap3A_488 = vector.shape_cast %swap3A_487 : vector<1x16xf32> to vector<16xf32>
        %swap3A_489 = vector.shape_cast %get3A_484 : vector<16xf32> to vector<1x16xf32>
        tpu.vector_store %arg10[%swap3A_485, %swap3A_486], %swap3A_489 {add = true, strides = array<i32>} : memref<200x64xf32, #tpu.memory_space<vmem>>, vector<1x16xf32>,
        %add3A_490 = arith.constant 2 : i32
        %add3A_491 = arith.addi %mul3A_361, %add3A_490 : i32
        %add3A_492 = arith.constant 2 : i32
        %add3A_493 = arith.addi %mul3A_361, %add3A_492 : i32
        %get3A_494 = arith.index_cast %add3A_493 : i32 to index
        %get3A_495 = arith.constant 32 : index
        %get3A_496 = tpu.vector_load %arg7[%get3A_494, %get3A_495] {strides = array<i32>} : memref<200x64xf32, #tpu.memory_space<vmem>>, vector<1x16xf32>,
        %get3A_497 = vector.shape_cast %get3A_496 : vector<1x16xf32> to vector<16xf32>
        %swap3A_498 = arith.index_cast %add3A_491 : i32 to index
        %swap3A_499 = arith.constant 32 : index
        %swap3A_500 = tpu.vector_load %arg10[%swap3A_498, %swap3A_499] {strides = array<i32>} : memref<200x64xf32, #tpu.memory_space<vmem>>, vector<1x16xf32>,
        %swap3A_501 = vector.shape_cast %swap3A_500 : vector<1x16xf32> to vector<16xf32>
        %swap3A_502 = vector.shape_cast %get3A_497 : vector<16xf32> to vector<1x16xf32>
        tpu.vector_store %arg10[%swap3A_498, %swap3A_499], %swap3A_502 {add = true, strides = array<i32>} : memref<200x64xf32, #tpu.memory_space<vmem>>, vector<1x16xf32>,
        %add3A_503 = arith.constant 2 : i32
        %add3A_504 = arith.addi %mul3A_361, %add3A_503 : i32
        %add3A_505 = arith.constant 2 : i32
        %add3A_506 = arith.addi %mul3A_361, %add3A_505 : i32
        %get3A_507 = arith.index_cast %add3A_506 : i32 to index
        %get3A_508 = arith.constant 48 : index
        %get3A_509 = tpu.vector_load %arg7[%get3A_507, %get3A_508] {strides = array<i32>} : memref<200x64xf32, #tpu.memory_space<vmem>>, vector<1x16xf32>,
        %get3A_510 = vector.shape_cast %get3A_509 : vector<1x16xf32> to vector<16xf32>
        %swap3A_511 = arith.index_cast %add3A_504 : i32 to index
        %swap3A_512 = arith.constant 48 : index
        %swap3A_513 = tpu.vector_load %arg10[%swap3A_511, %swap3A_512] {strides = array<i32>} : memref<200x64xf32, #tpu.memory_space<vmem>>, vector<1x16xf32>,
        %swap3A_514 = vector.shape_cast %swap3A_513 : vector<1x16xf32> to vector<16xf32>
        %swap3A_515 = vector.shape_cast %get3A_510 : vector<16xf32> to vector<1x16xf32>
        tpu.vector_store %arg10[%swap3A_511, %swap3A_512], %swap3A_515 {add = true, strides = array<i32>} : memref<200x64xf32, #tpu.memory_space<vmem>>, vector<1x16xf32>,
        %add3A_516 = arith.constant 3 : i32
        %add3A_517 = arith.addi %mul3A_361, %add3A_516 : i32
        %add3A_518 = arith.constant 3 : i32
        %add3A_519 = arith.addi %mul3A_361, %add3A_518 : i32
        %get3A_520 = arith.index_cast %add3A_519 : i32 to index
        %get3A_521 = arith.constant 0 : index
        %get3A_522 = tpu.vector_load %arg7[%get3A_520, %get3A_521] {strides = array<i32>} : memref<200x64xf32, #tpu.memory_space<vmem>>, vector<1x16xf32>,
        %get3A_523 = vector.shape_cast %get3A_522 : vector<1x16xf32> to vector<16xf32>
        %swap3A_524 = arith.index_cast %add3A_517 : i32 to index
        %swap3A_525 = arith.constant 0 : index
        %swap3A_526 = tpu.vector_load %arg10[%swap3A_524, %swap3A_525] {strides = array<i32>} : memref<200x64xf32, #tpu.memory_space<vmem>>, vector<1x16xf32>,
        %swap3A_527 = vector.shape_cast %swap3A_526 : vector<1x16xf32> to vector<16xf32>
        %swap3A_528 = vector.shape_cast %get3A_523 : vector<16xf32> to vector<1x16xf32>
        tpu.vector_store %arg10[%swap3A_524, %swap3A_525], %swap3A_528 {add = true, strides = array<i32>} : memref<200x64xf32, #tpu.memory_space<vmem>>, vector<1x16xf32>,
        %add3A_529 = arith.constant 3 : i32
        %add3A_530 = arith.addi %mul3A_361, %add3A_529 : i32
        %add3A_531 = arith.constant 3 : i32
        %add3A_532 = arith.addi %mul3A_361, %add3A_531 : i32
        %get3A_533 = arith.index_cast %add3A_532 : i32 to index
        %get3A_534 = arith.constant 16 : index
        %get3A_535 = tpu.vector_load %arg7[%get3A_533, %get3A_534] {strides = array<i32>} : memref<200x64xf32, #tpu.memory_space<vmem>>, vector<1x16xf32>,
        %get3A_536 = vector.shape_cast %get3A_535 : vector<1x16xf32> to vector<16xf32>
        %swap3A_537 = arith.index_cast %add3A_530 : i32 to index
        %swap3A_538 = arith.constant 16 : index
        %swap3A_539 = tpu.vector_load %arg10[%swap3A_537, %swap3A_538] {strides = array<i32>} : memref<200x64xf32, #tpu.memory_space<vmem>>, vector<1x16xf32>,
        %swap3A_540 = vector.shape_cast %swap3A_539 : vector<1x16xf32> to vector<16xf32>
        %swap3A_541 = vector.shape_cast %get3A_536 : vector<16xf32> to vector<1x16xf32>
        tpu.vector_store %arg10[%swap3A_537, %swap3A_538], %swap3A_541 {add = true, strides = array<i32>} : memref<200x64xf32, #tpu.memory_space<vmem>>, vector<1x16xf32>,
        %add3A_542 = arith.constant 3 : i32
        %add3A_543 = arith.addi %mul3A_361, %add3A_542 : i32
        %add3A_544 = arith.constant 3 : i32
        %add3A_545 = arith.addi %mul3A_361, %add3A_544 : i32
        %get3A_546 = arith.index_cast %add3A_545 : i32 to index
        %get3A_547 = arith.constant 32 : index
        %get3A_548 = tpu.vector_load %arg7[%get3A_546, %get3A_547] {strides = array<i32>} : memref<200x64xf32, #tpu.memory_space<vmem>>, vector<1x16xf32>,
        %get3A_549 = vector.shape_cast %get3A_548 : vector<1x16xf32> to vector<16xf32>
        %swap3A_550 = arith.index_cast %add3A_543 : i32 to index
        %swap3A_551 = arith.constant 32 : index
        %swap3A_552 = tpu.vector_load %arg10[%swap3A_550, %swap3A_551] {strides = array<i32>} : memref<200x64xf32, #tpu.memory_space<vmem>>, vector<1x16xf32>,
        %swap3A_553 = vector.shape_cast %swap3A_552 : vector<1x16xf32> to vector<16xf32>
        %swap3A_554 = vector.shape_cast %get3A_549 : vector<16xf32> to vector<1x16xf32>
        tpu.vector_store %arg10[%swap3A_550, %swap3A_551], %swap3A_554 {add = true, strides = array<i32>} : memref<200x64xf32, #tpu.memory_space<vmem>>, vector<1x16xf32>,
        %add3A_555 = arith.constant 3 : i32
        %add3A_556 = arith.addi %mul3A_361, %add3A_555 : i32
        %add3A_557 = arith.constant 3 : i32
        %add3A_558 = arith.addi %mul3A_361, %add3A_557 : i32
        %get3A_559 = arith.index_cast %add3A_558 : i32 to index
        %get3A_560 = arith.constant 48 : index
        %get3A_561 = tpu.vector_load %arg7[%get3A_559, %get3A_560] {strides = array<i32>} : memref<200x64xf32, #tpu.memory_space<vmem>>, vector<1x16xf32>,
        %get3A_562 = vector.shape_cast %get3A_561 : vector<1x16xf32> to vector<16xf32>
        %swap3A_563 = arith.index_cast %add3A_556 : i32 to index
        %swap3A_564 = arith.constant 48 : index
        %swap3A_565 = tpu.vector_load %arg10[%swap3A_563, %swap3A_564] {strides = array<i32>} : memref<200x64xf32, #tpu.memory_space<vmem>>, vector<1x16xf32>,
        %swap3A_566 = vector.shape_cast %swap3A_565 : vector<1x16xf32> to vector<16xf32>
        %swap3A_567 = vector.shape_cast %get3A_562 : vector<16xf32> to vector<1x16xf32>
        tpu.vector_store %arg10[%swap3A_563, %swap3A_564], %swap3A_567 {add = true, strides = array<i32>} : memref<200x64xf32, #tpu.memory_space<vmem>>, vector<1x16xf32>,
      }
      %scan3A_318 = arith.constant 50 : i32
      %mul3A_319 = arith.constant 200 : i32
      %mul3A_320 = arith.muli %add3A_306, %mul3A_319 : i32
      %add3A_321 = arith.addi %mul3A_4, %mul3A_320 : i32
      %dma_start3A_322 = arith.constant 0 : i32
      %dma_start3A_323 = tpu.memref_slice %arg5[%add3A_321, %dma_start3A_322] : memref<819200x64xf32, #tpu.memory_space<hbm>> -> memref<200x64xf32, #tpu.memory_space<hbm>>
      %dma_start3A_324 = arith.constant 0 : i32
      %dma_start3A_325 = tpu.memref_slice %arg5[%add3A_321, %dma_start3A_324] : memref<819200x64xf32, #tpu.memory_space<hbm>> -> memref<200x64xf32, #tpu.memory_space<hbm>>
      tpu.enqueue_dma source(%arg10 : memref<200x64xf32, #tpu.memory_space<vmem>>) target(%dma_start3A_325 : memref<200x64xf32, #tpu.memory_space<hbm>>) target_semaphore(%arg18 : memref<!tpu.dma_semaphore, #tpu.memory_space<semaphore_mem>>)
      %lt3A_326 = arith.constant 31 : i32
      %lt3A_327 = arith.cmpi slt, %scan3A_182, %lt3A_326 : i32
      %convert_element_type3A_328 = arith.extui %lt3A_327 : i1 to i32
      %cond3A_329 = arith.constant 0 : i32
      %cond3A_330 = arith.cmpi ne, %convert_element_type3A_328, %cond3A_329 : i32
      scf.if %cond3A_330 {
        %dma_wait3A_359 = arith.constant 0 : i32
        %dma_wait3A_360 = arith.constant 0 : i32
        %dma_wait3A_361 = tpu.memref_slice %arg5[%dma_wait3A_359, %dma_wait3A_360] : memref<819200x64xf32, #tpu.memory_space<hbm>> -> memref<200x64xf32, #tpu.memory_space<hbm>>
        %dma_wait3A_362 = arith.constant 0 : i32
        %dma_wait3A_363 = arith.constant 0 : i32
        %dma_wait3A_364 = tpu.memref_slice %arg5[%dma_wait3A_362, %dma_wait3A_363] : memref<819200x64xf32, #tpu.memory_space<hbm>> -> memref<200x64xf32, #tpu.memory_space<hbm>>
        tpu.wait_dma2 semaphore(%arg17 : memref<!tpu.dma_semaphore, #tpu.memory_space<semaphore_mem>>) src(%arg9 : memref<200x64xf32, #tpu.memory_space<vmem>>) dst(%dma_wait3A_364 : memref<200x64xf32, #tpu.memory_space<hbm>>)
        %add3A_365 = arith.constant 4 : i32
        %add3A_366 = arith.addi %add3A_306, %add3A_365 : i32
        %sub3A_367 = arith.constant 1 : i32
        %sub3A_368 = arith.subi %add3A_366, %sub3A_367 : i32
        %mul3A_369 = arith.constant 5 : i32
        %mul3A_370 = arith.muli %sub3A_368, %mul3A_369 : i32
        %add3A_371 = arith.constant 0 : i32
        %add3A_372 = arith.addi %mul3A_370, %add3A_371 : i32
        %dma_start3A_373 = arith.constant 0 : i32
        %dma_start3A_374 = arith.constant 0 : i32
        %dma_start3A_375 = tpu.memref_slice %arg9[%dma_start3A_373, %dma_start3A_374] : memref<200x64xf32, #tpu.memory_space<vmem>> -> memref<40x64xf32, #tpu.memory_space<vmem>>
        %dma_start3A_376 = arith.constant 0 : i32
        %dma_start3A_377 = tpu.memref_slice %arg6[%add3A_372, %dma_start3A_376] : memref<640x40xi32, #tpu.memory_space<vmem>> -> memref<1x40xi32, #tpu.memory_space<vmem>>
        %dma_start3A_378 = tpu.memref_squeeze %dma_start3A_377 : memref<1x40xi32, #tpu.memory_space<vmem>> -> memref<40xi32, #tpu.memory_space<vmem>>
        %dma_start3A_379 = arith.constant 0 : i32
        %dma_start3A_380 = arith.constant 0 : i32
        %dma_start3A_381 = tpu.memref_slice %arg3[%dma_start3A_379, %dma_start3A_380] : memref<1000000x64xf32, #tpu.memory_space<hbm>> -> memref<1000000x64xf32, #tpu.memory_space<hbm>>
        tpu.enqueue_indirect_dma source(%dma_start3A_381 : memref<1000000x64xf32, #tpu.memory_space<hbm>>) target(%dma_start3A_375 : memref<40x64xf32, #tpu.memory_space<vmem>>) offsets(%dma_start3A_378 : memref<40xi32, #tpu.memory_space<vmem>>) semaphore(%arg13 : memref<!tpu.dma_semaphore, #tpu.memory_space<semaphore_mem>>)
        %mul3A_382 = arith.constant 5 : i32
        %mul3A_383 = arith.muli %sub3A_368, %mul3A_382 : i32
        %add3A_384 = arith.constant 1 : i32
        %add3A_385 = arith.addi %mul3A_383, %add3A_384 : i32
        %dma_start3A_386 = arith.constant 40 : i32
        %dma_start3A_387 = arith.constant 0 : i32
        %dma_start3A_388 = tpu.memref_slice %arg9[%dma_start3A_386, %dma_start3A_387] : memref<200x64xf32, #tpu.memory_space<vmem>> -> memref<40x64xf32, #tpu.memory_space<vmem>>
        %dma_start3A_389 = arith.constant 0 : i32
        %dma_start3A_390 = tpu.memref_slice %arg6[%add3A_385, %dma_start3A_389] : memref<640x40xi32, #tpu.memory_space<vmem>> -> memref<1x40xi32, #tpu.memory_space<vmem>>
        %dma_start3A_391 = tpu.memref_squeeze %dma_start3A_390 : memref<1x40xi32, #tpu.memory_space<vmem>> -> memref<40xi32, #tpu.memory_space<vmem>>
        %dma_start3A_392 = arith.constant 0 : i32
        %dma_start3A_393 = arith.constant 0 : i32
        %dma_start3A_394 = tpu.memref_slice %arg3[%dma_start3A_392, %dma_start3A_393] : memref<1000000x64xf32, #tpu.memory_space<hbm>> -> memref<1000000x64xf32, #tpu.memory_space<hbm>>
        tpu.enqueue_indirect_dma source(%dma_start3A_394 : memref<1000000x64xf32, #tpu.memory_space<hbm>>) target(%dma_start3A_388 : memref<40x64xf32, #tpu.memory_space<vmem>>) offsets(%dma_start3A_391 : memref<40xi32, #tpu.memory_space<vmem>>) semaphore(%arg13 : memref<!tpu.dma_semaphore, #tpu.memory_space<semaphore_mem>>)
        %mul3A_395 = arith.constant 5 : i32
        %mul3A_396 = arith.muli %sub3A_368, %mul3A_395 : i32
        %add3A_397 = arith.constant 2 : i32
        %add3A_398 = arith.addi %mul3A_396, %add3A_397 : i32
        %dma_start3A_399 = arith.constant 80 : i32
        %dma_start3A_400 = arith.constant 0 : i32
        %dma_start3A_401 = tpu.memref_slice %arg9[%dma_start3A_399, %dma_start3A_400] : memref<200x64xf32, #tpu.memory_space<vmem>> -> memref<40x64xf32, #tpu.memory_space<vmem>>
        %dma_start3A_402 = arith.constant 0 : i32
        %dma_start3A_403 = tpu.memref_slice %arg6[%add3A_398, %dma_start3A_402] : memref<640x40xi32, #tpu.memory_space<vmem>> -> memref<1x40xi32, #tpu.memory_space<vmem>>
        %dma_start3A_404 = tpu.memref_squeeze %dma_start3A_403 : memref<1x40xi32, #tpu.memory_space<vmem>> -> memref<40xi32, #tpu.memory_space<vmem>>
        %dma_start3A_405 = arith.constant 0 : i32
        %dma_start3A_406 = arith.constant 0 : i32
        %dma_start3A_407 = tpu.memref_slice %arg3[%dma_start3A_405, %dma_start3A_406] : memref<1000000x64xf32, #tpu.memory_space<hbm>> -> memref<1000000x64xf32, #tpu.memory_space<hbm>>
        tpu.enqueue_indirect_dma source(%dma_start3A_407 : memref<1000000x64xf32, #tpu.memory_space<hbm>>) target(%dma_start3A_401 : memref<40x64xf32, #tpu.memory_space<vmem>>) offsets(%dma_start3A_404 : memref<40xi32, #tpu.memory_space<vmem>>) semaphore(%arg13 : memref<!tpu.dma_semaphore, #tpu.memory_space<semaphore_mem>>)
        %mul3A_408 = arith.constant 5 : i32
        %mul3A_409 = arith.muli %sub3A_368, %mul3A_408 : i32
        %add3A_410 = arith.constant 3 : i32
        %add3A_411 = arith.addi %mul3A_409, %add3A_410 : i32
        %dma_start3A_412 = arith.constant 120 : i32
        %dma_start3A_413 = arith.constant 0 : i32
        %dma_start3A_414 = tpu.memref_slice %arg9[%dma_start3A_412, %dma_start3A_413] : memref<200x64xf32, #tpu.memory_space<vmem>> -> memref<40x64xf32, #tpu.memory_space<vmem>>
        %dma_start3A_415 = arith.constant 0 : i32
        %dma_start3A_416 = tpu.memref_slice %arg6[%add3A_411, %dma_start3A_415] : memref<640x40xi32, #tpu.memory_space<vmem>> -> memref<1x40xi32, #tpu.memory_space<vmem>>
        %dma_start3A_417 = tpu.memref_squeeze %dma_start3A_416 : memref<1x40xi32, #tpu.memory_space<vmem>> -> memref<40xi32, #tpu.memory_space<vmem>>
        %dma_start3A_418 = arith.constant 0 : i32
        %dma_start3A_419 = arith.constant 0 : i32
        %dma_start3A_420 = tpu.memref_slice %arg3[%dma_start3A_418, %dma_start3A_419] : memref<1000000x64xf32, #tpu.memory_space<hbm>> -> memref<1000000x64xf32, #tpu.memory_space<hbm>>
        tpu.enqueue_indirect_dma source(%dma_start3A_420 : memref<1000000x64xf32, #tpu.memory_space<hbm>>) target(%dma_start3A_414 : memref<40x64xf32, #tpu.memory_space<vmem>>) offsets(%dma_start3A_417 : memref<40xi32, #tpu.memory_space<vmem>>) semaphore(%arg13 : memref<!tpu.dma_semaphore, #tpu.memory_space<semaphore_mem>>)
        %mul3A_421 = arith.constant 5 : i32
        %mul3A_422 = arith.muli %sub3A_368, %mul3A_421 : i32
        %add3A_423 = arith.constant 4 : i32
        %add3A_424 = arith.addi %mul3A_422, %add3A_423 : i32
        %dma_start3A_425 = arith.constant 160 : i32
        %dma_start3A_426 = arith.constant 0 : i32
        %dma_start3A_427 = tpu.memref_slice %arg9[%dma_start3A_425, %dma_start3A_426] : memref<200x64xf32, #tpu.memory_space<vmem>> -> memref<40x64xf32, #tpu.memory_space<vmem>>
        %dma_start3A_428 = arith.constant 0 : i32
        %dma_start3A_429 = tpu.memref_slice %arg6[%add3A_424, %dma_start3A_428] : memref<640x40xi32, #tpu.memory_space<vmem>> -> memref<1x40xi32, #tpu.memory_space<vmem>>
        %dma_start3A_430 = tpu.memref_squeeze %dma_start3A_429 : memref<1x40xi32, #tpu.memory_space<vmem>> -> memref<40xi32, #tpu.memory_space<vmem>>
        %dma_start3A_431 = arith.constant 0 : i32
        %dma_start3A_432 = arith.constant 0 : i32
        %dma_start3A_433 = tpu.memref_slice %arg3[%dma_start3A_431, %dma_start3A_432] : memref<1000000x64xf32, #tpu.memory_space<hbm>> -> memref<1000000x64xf32, #tpu.memory_space<hbm>>
        tpu.enqueue_indirect_dma source(%dma_start3A_433 : memref<1000000x64xf32, #tpu.memory_space<hbm>>) target(%dma_start3A_427 : memref<40x64xf32, #tpu.memory_space<vmem>>) offsets(%dma_start3A_430 : memref<40xi32, #tpu.memory_space<vmem>>) semaphore(%arg13 : memref<!tpu.dma_semaphore, #tpu.memory_space<semaphore_mem>>)
      } else {
      }
      %mul3A_331 = arith.constant 4 : i32
      %mul3A_332 = arith.muli %scan3A_182, %mul3A_331 : i32
      %add3A_333 = arith.constant 3 : i32
      %add3A_334 = arith.addi %mul3A_332, %add3A_333 : i32
      %dma_wait3A_335 = arith.constant 0 : i32
      %dma_wait3A_336 = arith.constant 0 : i32
      %dma_wait3A_337 = tpu.memref_slice %arg5[%dma_wait3A_335, %dma_wait3A_336] : memref<819200x64xf32, #tpu.memory_space<hbm>> -> memref<200x64xf32, #tpu.memory_space<hbm>>
      %dma_wait3A_338 = arith.constant 0 : i32
      %dma_wait3A_339 = arith.constant 0 : i32
      %dma_wait3A_340 = tpu.memref_slice %arg5[%dma_wait3A_338, %dma_wait3A_339] : memref<819200x64xf32, #tpu.memory_space<hbm>> -> memref<200x64xf32, #tpu.memory_space<hbm>>
      tpu.wait_dma2 semaphore(%arg15 : memref<!tpu.dma_semaphore, #tpu.memory_space<semaphore_mem>>) src(%dma_wait3A_340 : memref<200x64xf32, #tpu.memory_space<hbm>>) dst(%arg11 : memref<200x64xf32, #tpu.memory_space<vmem>>)
      %scan3A_341 = arith.constant 0 : i32
      %scan3A_342 = arith.constant 0 : i32
      %scan3A_343 = arith.constant 50 : i32
      %scan3A_344 = arith.addi %scan3A_342, %scan3A_343 : i32
      %scan3A_345 = arith.constant 1 : i32
      scf.for %scan3A_359 = %scan3A_342 to %scan3A_344 step %scan3A_345  : i32 {
        %mul3A_360 = arith.constant 4 : i32
        %mul3A_361 = arith.muli %scan3A_359, %mul3A_360 : i32
        %add3A_362 = arith.constant 0 : i32
        %add3A_363 = arith.addi %mul3A_361, %add3A_362 : i32
        %add3A_364 = arith.constant 0 : i32
        %add3A_365 = arith.addi %mul3A_361, %add3A_364 : i32
        %get3A = arith.index_cast %add3A_365 : i32 to index
        %get3A_366 = arith.constant 0 : index
        %get3A_367 = tpu.vector_load %arg7[%get3A, %get3A_366] {strides = array<i32>} : memref<200x64xf32, #tpu.memory_space<vmem>>, vector<1x16xf32>,
        %get3A_368 = vector.shape_cast %get3A_367 : vector<1x16xf32> to vector<16xf32>
        %swap3A = arith.index_cast %add3A_363 : i32 to index
        %swap3A_369 = arith.constant 0 : index
        %swap3A_370 = tpu.vector_load %arg11[%swap3A, %swap3A_369] {strides = array<i32>} : memref<200x64xf32, #tpu.memory_space<vmem>>, vector<1x16xf32>,
        %swap3A_371 = vector.shape_cast %swap3A_370 : vector<1x16xf32> to vector<16xf32>
        %swap3A_372 = vector.shape_cast %get3A_368 : vector<16xf32> to vector<1x16xf32>
        tpu.vector_store %arg11[%swap3A, %swap3A_369], %swap3A_372 {add = true, strides = array<i32>} : memref<200x64xf32, #tpu.memory_space<vmem>>, vector<1x16xf32>,
        %add3A_373 = arith.constant 0 : i32
        %add3A_374 = arith.addi %mul3A_361, %add3A_373 : i32
        %add3A_375 = arith.constant 0 : i32
        %add3A_376 = arith.addi %mul3A_361, %add3A_375 : i32
        %get3A_377 = arith.index_cast %add3A_376 : i32 to index
        %get3A_378 = arith.constant 16 : index
        %get3A_379 = tpu.vector_load %arg7[%get3A_377, %get3A_378] {strides = array<i32>} : memref<200x64xf32, #tpu.memory_space<vmem>>, vector<1x16xf32>,
        %get3A_380 = vector.shape_cast %get3A_379 : vector<1x16xf32> to vector<16xf32>
        %swap3A_381 = arith.index_cast %add3A_374 : i32 to index
        %swap3A_382 = arith.constant 16 : index
        %swap3A_383 = tpu.vector_load %arg11[%swap3A_381, %swap3A_382] {strides = array<i32>} : memref<200x64xf32, #tpu.memory_space<vmem>>, vector<1x16xf32>,
        %swap3A_384 = vector.shape_cast %swap3A_383 : vector<1x16xf32> to vector<16xf32>
        %swap3A_385 = vector.shape_cast %get3A_380 : vector<16xf32> to vector<1x16xf32>
        tpu.vector_store %arg11[%swap3A_381, %swap3A_382], %swap3A_385 {add = true, strides = array<i32>} : memref<200x64xf32, #tpu.memory_space<vmem>>, vector<1x16xf32>,
        %add3A_386 = arith.constant 0 : i32
        %add3A_387 = arith.addi %mul3A_361, %add3A_386 : i32
        %add3A_388 = arith.constant 0 : i32
        %add3A_389 = arith.addi %mul3A_361, %add3A_388 : i32
        %get3A_390 = arith.index_cast %add3A_389 : i32 to index
        %get3A_391 = arith.constant 32 : index
        %get3A_392 = tpu.vector_load %arg7[%get3A_390, %get3A_391] {strides = array<i32>} : memref<200x64xf32, #tpu.memory_space<vmem>>, vector<1x16xf32>,
        %get3A_393 = vector.shape_cast %get3A_392 : vector<1x16xf32> to vector<16xf32>
        %swap3A_394 = arith.index_cast %add3A_387 : i32 to index
        %swap3A_395 = arith.constant 32 : index
        %swap3A_396 = tpu.vector_load %arg11[%swap3A_394, %swap3A_395] {strides = array<i32>} : memref<200x64xf32, #tpu.memory_space<vmem>>, vector<1x16xf32>,
        %swap3A_397 = vector.shape_cast %swap3A_396 : vector<1x16xf32> to vector<16xf32>
        %swap3A_398 = vector.shape_cast %get3A_393 : vector<16xf32> to vector<1x16xf32>
        tpu.vector_store %arg11[%swap3A_394, %swap3A_395], %swap3A_398 {add = true, strides = array<i32>} : memref<200x64xf32, #tpu.memory_space<vmem>>, vector<1x16xf32>,
        %add3A_399 = arith.constant 0 : i32
        %add3A_400 = arith.addi %mul3A_361, %add3A_399 : i32
        %add3A_401 = arith.constant 0 : i32
        %add3A_402 = arith.addi %mul3A_361, %add3A_401 : i32
        %get3A_403 = arith.index_cast %add3A_402 : i32 to index
        %get3A_404 = arith.constant 48 : index
        %get3A_405 = tpu.vector_load %arg7[%get3A_403, %get3A_404] {strides = array<i32>} : memref<200x64xf32, #tpu.memory_space<vmem>>, vector<1x16xf32>,
        %get3A_406 = vector.shape_cast %get3A_405 : vector<1x16xf32> to vector<16xf32>
        %swap3A_407 = arith.index_cast %add3A_400 : i32 to index
        %swap3A_408 = arith.constant 48 : index
        %swap3A_409 = tpu.vector_load %arg11[%swap3A_407, %swap3A_408] {strides = array<i32>} : memref<200x64xf32, #tpu.memory_space<vmem>>, vector<1x16xf32>,
        %swap3A_410 = vector.shape_cast %swap3A_409 : vector<1x16xf32> to vector<16xf32>
        %swap3A_411 = vector.shape_cast %get3A_406 : vector<16xf32> to vector<1x16xf32>
        tpu.vector_store %arg11[%swap3A_407, %swap3A_408], %swap3A_411 {add = true, strides = array<i32>} : memref<200x64xf32, #tpu.memory_space<vmem>>, vector<1x16xf32>,
        %add3A_412 = arith.constant 1 : i32
        %add3A_413 = arith.addi %mul3A_361, %add3A_412 : i32
        %add3A_414 = arith.constant 1 : i32
        %add3A_415 = arith.addi %mul3A_361, %add3A_414 : i32
        %get3A_416 = arith.index_cast %add3A_415 : i32 to index
        %get3A_417 = arith.constant 0 : index
        %get3A_418 = tpu.vector_load %arg7[%get3A_416, %get3A_417] {strides = array<i32>} : memref<200x64xf32, #tpu.memory_space<vmem>>, vector<1x16xf32>,
        %get3A_419 = vector.shape_cast %get3A_418 : vector<1x16xf32> to vector<16xf32>
        %swap3A_420 = arith.index_cast %add3A_413 : i32 to index
        %swap3A_421 = arith.constant 0 : index
        %swap3A_422 = tpu.vector_load %arg11[%swap3A_420, %swap3A_421] {strides = array<i32>} : memref<200x64xf32, #tpu.memory_space<vmem>>, vector<1x16xf32>,
        %swap3A_423 = vector.shape_cast %swap3A_422 : vector<1x16xf32> to vector<16xf32>
        %swap3A_424 = vector.shape_cast %get3A_419 : vector<16xf32> to vector<1x16xf32>
        tpu.vector_store %arg11[%swap3A_420, %swap3A_421], %swap3A_424 {add = true, strides = array<i32>} : memref<200x64xf32, #tpu.memory_space<vmem>>, vector<1x16xf32>,
        %add3A_425 = arith.constant 1 : i32
        %add3A_426 = arith.addi %mul3A_361, %add3A_425 : i32
        %add3A_427 = arith.constant 1 : i32
        %add3A_428 = arith.addi %mul3A_361, %add3A_427 : i32
        %get3A_429 = arith.index_cast %add3A_428 : i32 to index
        %get3A_430 = arith.constant 16 : index
        %get3A_431 = tpu.vector_load %arg7[%get3A_429, %get3A_430] {strides = array<i32>} : memref<200x64xf32, #tpu.memory_space<vmem>>, vector<1x16xf32>,
        %get3A_432 = vector.shape_cast %get3A_431 : vector<1x16xf32> to vector<16xf32>
        %swap3A_433 = arith.index_cast %add3A_426 : i32 to index
        %swap3A_434 = arith.constant 16 : index
        %swap3A_435 = tpu.vector_load %arg11[%swap3A_433, %swap3A_434] {strides = array<i32>} : memref<200x64xf32, #tpu.memory_space<vmem>>, vector<1x16xf32>,
        %swap3A_436 = vector.shape_cast %swap3A_435 : vector<1x16xf32> to vector<16xf32>
        %swap3A_437 = vector.shape_cast %get3A_432 : vector<16xf32> to vector<1x16xf32>
        tpu.vector_store %arg11[%swap3A_433, %swap3A_434], %swap3A_437 {add = true, strides = array<i32>} : memref<200x64xf32, #tpu.memory_space<vmem>>, vector<1x16xf32>,
        %add3A_438 = arith.constant 1 : i32
        %add3A_439 = arith.addi %mul3A_361, %add3A_438 : i32
        %add3A_440 = arith.constant 1 : i32
        %add3A_441 = arith.addi %mul3A_361, %add3A_440 : i32
        %get3A_442 = arith.index_cast %add3A_441 : i32 to index
        %get3A_443 = arith.constant 32 : index
        %get3A_444 = tpu.vector_load %arg7[%get3A_442, %get3A_443] {strides = array<i32>} : memref<200x64xf32, #tpu.memory_space<vmem>>, vector<1x16xf32>,
        %get3A_445 = vector.shape_cast %get3A_444 : vector<1x16xf32> to vector<16xf32>
        %swap3A_446 = arith.index_cast %add3A_439 : i32 to index
        %swap3A_447 = arith.constant 32 : index
        %swap3A_448 = tpu.vector_load %arg11[%swap3A_446, %swap3A_447] {strides = array<i32>} : memref<200x64xf32, #tpu.memory_space<vmem>>, vector<1x16xf32>,
        %swap3A_449 = vector.shape_cast %swap3A_448 : vector<1x16xf32> to vector<16xf32>
        %swap3A_450 = vector.shape_cast %get3A_445 : vector<16xf32> to vector<1x16xf32>
        tpu.vector_store %arg11[%swap3A_446, %swap3A_447], %swap3A_450 {add = true, strides = array<i32>} : memref<200x64xf32, #tpu.memory_space<vmem>>, vector<1x16xf32>,
        %add3A_451 = arith.constant 1 : i32
        %add3A_452 = arith.addi %mul3A_361, %add3A_451 : i32
        %add3A_453 = arith.constant 1 : i32
        %add3A_454 = arith.addi %mul3A_361, %add3A_453 : i32
        %get3A_455 = arith.index_cast %add3A_454 : i32 to index
        %get3A_456 = arith.constant 48 : index
        %get3A_457 = tpu.vector_load %arg7[%get3A_455, %get3A_456] {strides = array<i32>} : memref<200x64xf32, #tpu.memory_space<vmem>>, vector<1x16xf32>,
        %get3A_458 = vector.shape_cast %get3A_457 : vector<1x16xf32> to vector<16xf32>
        %swap3A_459 = arith.index_cast %add3A_452 : i32 to index
        %swap3A_460 = arith.constant 48 : index
        %swap3A_461 = tpu.vector_load %arg11[%swap3A_459, %swap3A_460] {strides = array<i32>} : memref<200x64xf32, #tpu.memory_space<vmem>>, vector<1x16xf32>,
        %swap3A_462 = vector.shape_cast %swap3A_461 : vector<1x16xf32> to vector<16xf32>
        %swap3A_463 = vector.shape_cast %get3A_458 : vector<16xf32> to vector<1x16xf32>
        tpu.vector_store %arg11[%swap3A_459, %swap3A_460], %swap3A_463 {add = true, strides = array<i32>} : memref<200x64xf32, #tpu.memory_space<vmem>>, vector<1x16xf32>,
        %add3A_464 = arith.constant 2 : i32
        %add3A_465 = arith.addi %mul3A_361, %add3A_464 : i32
        %add3A_466 = arith.constant 2 : i32
        %add3A_467 = arith.addi %mul3A_361, %add3A_466 : i32
        %get3A_468 = arith.index_cast %add3A_467 : i32 to index
        %get3A_469 = arith.constant 0 : index
        %get3A_470 = tpu.vector_load %arg7[%get3A_468, %get3A_469] {strides = array<i32>} : memref<200x64xf32, #tpu.memory_space<vmem>>, vector<1x16xf32>,
        %get3A_471 = vector.shape_cast %get3A_470 : vector<1x16xf32> to vector<16xf32>
        %swap3A_472 = arith.index_cast %add3A_465 : i32 to index
        %swap3A_473 = arith.constant 0 : index
        %swap3A_474 = tpu.vector_load %arg11[%swap3A_472, %swap3A_473] {strides = array<i32>} : memref<200x64xf32, #tpu.memory_space<vmem>>, vector<1x16xf32>,
        %swap3A_475 = vector.shape_cast %swap3A_474 : vector<1x16xf32> to vector<16xf32>
        %swap3A_476 = vector.shape_cast %get3A_471 : vector<16xf32> to vector<1x16xf32>
        tpu.vector_store %arg11[%swap3A_472, %swap3A_473], %swap3A_476 {add = true, strides = array<i32>} : memref<200x64xf32, #tpu.memory_space<vmem>>, vector<1x16xf32>,
        %add3A_477 = arith.constant 2 : i32
        %add3A_478 = arith.addi %mul3A_361, %add3A_477 : i32
        %add3A_479 = arith.constant 2 : i32
        %add3A_480 = arith.addi %mul3A_361, %add3A_479 : i32
        %get3A_481 = arith.index_cast %add3A_480 : i32 to index
        %get3A_482 = arith.constant 16 : index
        %get3A_483 = tpu.vector_load %arg7[%get3A_481, %get3A_482] {strides = array<i32>} : memref<200x64xf32, #tpu.memory_space<vmem>>, vector<1x16xf32>,
        %get3A_484 = vector.shape_cast %get3A_483 : vector<1x16xf32> to vector<16xf32>
        %swap3A_485 = arith.index_cast %add3A_478 : i32 to index
        %swap3A_486 = arith.constant 16 : index
        %swap3A_487 = tpu.vector_load %arg11[%swap3A_485, %swap3A_486] {strides = array<i32>} : memref<200x64xf32, #tpu.memory_space<vmem>>, vector<1x16xf32>,
        %swap3A_488 = vector.shape_cast %swap3A_487 : vector<1x16xf32> to vector<16xf32>
        %swap3A_489 = vector.shape_cast %get3A_484 : vector<16xf32> to vector<1x16xf32>
        tpu.vector_store %arg11[%swap3A_485, %swap3A_486], %swap3A_489 {add = true, strides = array<i32>} : memref<200x64xf32, #tpu.memory_space<vmem>>, vector<1x16xf32>,
        %add3A_490 = arith.constant 2 : i32
        %add3A_491 = arith.addi %mul3A_361, %add3A_490 : i32
        %add3A_492 = arith.constant 2 : i32
        %add3A_493 = arith.addi %mul3A_361, %add3A_492 : i32
        %get3A_494 = arith.index_cast %add3A_493 : i32 to index
        %get3A_495 = arith.constant 32 : index
        %get3A_496 = tpu.vector_load %arg7[%get3A_494, %get3A_495] {strides = array<i32>} : memref<200x64xf32, #tpu.memory_space<vmem>>, vector<1x16xf32>,
        %get3A_497 = vector.shape_cast %get3A_496 : vector<1x16xf32> to vector<16xf32>
        %swap3A_498 = arith.index_cast %add3A_491 : i32 to index
        %swap3A_499 = arith.constant 32 : index
        %swap3A_500 = tpu.vector_load %arg11[%swap3A_498, %swap3A_499] {strides = array<i32>} : memref<200x64xf32, #tpu.memory_space<vmem>>, vector<1x16xf32>,
        %swap3A_501 = vector.shape_cast %swap3A_500 : vector<1x16xf32> to vector<16xf32>
        %swap3A_502 = vector.shape_cast %get3A_497 : vector<16xf32> to vector<1x16xf32>
        tpu.vector_store %arg11[%swap3A_498, %swap3A_499], %swap3A_502 {add = true, strides = array<i32>} : memref<200x64xf32, #tpu.memory_space<vmem>>, vector<1x16xf32>,
        %add3A_503 = arith.constant 2 : i32
        %add3A_504 = arith.addi %mul3A_361, %add3A_503 : i32
        %add3A_505 = arith.constant 2 : i32
        %add3A_506 = arith.addi %mul3A_361, %add3A_505 : i32
        %get3A_507 = arith.index_cast %add3A_506 : i32 to index
        %get3A_508 = arith.constant 48 : index
        %get3A_509 = tpu.vector_load %arg7[%get3A_507, %get3A_508] {strides = array<i32>} : memref<200x64xf32, #tpu.memory_space<vmem>>, vector<1x16xf32>,
        %get3A_510 = vector.shape_cast %get3A_509 : vector<1x16xf32> to vector<16xf32>
        %swap3A_511 = arith.index_cast %add3A_504 : i32 to index
        %swap3A_512 = arith.constant 48 : index
        %swap3A_513 = tpu.vector_load %arg11[%swap3A_511, %swap3A_512] {strides = array<i32>} : memref<200x64xf32, #tpu.memory_space<vmem>>, vector<1x16xf32>,
        %swap3A_514 = vector.shape_cast %swap3A_513 : vector<1x16xf32> to vector<16xf32>
        %swap3A_515 = vector.shape_cast %get3A_510 : vector<16xf32> to vector<1x16xf32>
        tpu.vector_store %arg11[%swap3A_511, %swap3A_512], %swap3A_515 {add = true, strides = array<i32>} : memref<200x64xf32, #tpu.memory_space<vmem>>, vector<1x16xf32>,
        %add3A_516 = arith.constant 3 : i32
        %add3A_517 = arith.addi %mul3A_361, %add3A_516 : i32
        %add3A_518 = arith.constant 3 : i32
        %add3A_519 = arith.addi %mul3A_361, %add3A_518 : i32
        %get3A_520 = arith.index_cast %add3A_519 : i32 to index
        %get3A_521 = arith.constant 0 : index
        %get3A_522 = tpu.vector_load %arg7[%get3A_520, %get3A_521] {strides = array<i32>} : memref<200x64xf32, #tpu.memory_space<vmem>>, vector<1x16xf32>,
        %get3A_523 = vector.shape_cast %get3A_522 : vector<1x16xf32> to vector<16xf32>
        %swap3A_524 = arith.index_cast %add3A_517 : i32 to index
        %swap3A_525 = arith.constant 0 : index
        %swap3A_526 = tpu.vector_load %arg11[%swap3A_524, %swap3A_525] {strides = array<i32>} : memref<200x64xf32, #tpu.memory_space<vmem>>, vector<1x16xf32>,
        %swap3A_527 = vector.shape_cast %swap3A_526 : vector<1x16xf32> to vector<16xf32>
        %swap3A_528 = vector.shape_cast %get3A_523 : vector<16xf32> to vector<1x16xf32>
        tpu.vector_store %arg11[%swap3A_524, %swap3A_525], %swap3A_528 {add = true, strides = array<i32>} : memref<200x64xf32, #tpu.memory_space<vmem>>, vector<1x16xf32>,
        %add3A_529 = arith.constant 3 : i32
        %add3A_530 = arith.addi %mul3A_361, %add3A_529 : i32
        %add3A_531 = arith.constant 3 : i32
        %add3A_532 = arith.addi %mul3A_361, %add3A_531 : i32
        %get3A_533 = arith.index_cast %add3A_532 : i32 to index
        %get3A_534 = arith.constant 16 : index
        %get3A_535 = tpu.vector_load %arg7[%get3A_533, %get3A_534] {strides = array<i32>} : memref<200x64xf32, #tpu.memory_space<vmem>>, vector<1x16xf32>,
        %get3A_536 = vector.shape_cast %get3A_535 : vector<1x16xf32> to vector<16xf32>
        %swap3A_537 = arith.index_cast %add3A_530 : i32 to index
        %swap3A_538 = arith.constant 16 : index
        %swap3A_539 = tpu.vector_load %arg11[%swap3A_537, %swap3A_538] {strides = array<i32>} : memref<200x64xf32, #tpu.memory_space<vmem>>, vector<1x16xf32>,
        %swap3A_540 = vector.shape_cast %swap3A_539 : vector<1x16xf32> to vector<16xf32>
        %swap3A_541 = vector.shape_cast %get3A_536 : vector<16xf32> to vector<1x16xf32>
        tpu.vector_store %arg11[%swap3A_537, %swap3A_538], %swap3A_541 {add = true, strides = array<i32>} : memref<200x64xf32, #tpu.memory_space<vmem>>, vector<1x16xf32>,
        %add3A_542 = arith.constant 3 : i32
        %add3A_543 = arith.addi %mul3A_361, %add3A_542 : i32
        %add3A_544 = arith.constant 3 : i32
        %add3A_545 = arith.addi %mul3A_361, %add3A_544 : i32
        %get3A_546 = arith.index_cast %add3A_545 : i32 to index
        %get3A_547 = arith.constant 32 : index
        %get3A_548 = tpu.vector_load %arg7[%get3A_546, %get3A_547] {strides = array<i32>} : memref<200x64xf32, #tpu.memory_space<vmem>>, vector<1x16xf32>,
        %get3A_549 = vector.shape_cast %get3A_548 : vector<1x16xf32> to vector<16xf32>
        %swap3A_550 = arith.index_cast %add3A_543 : i32 to index
        %swap3A_551 = arith.constant 32 : index
        %swap3A_552 = tpu.vector_load %arg11[%swap3A_550, %swap3A_551] {strides = array<i32>} : memref<200x64xf32, #tpu.memory_space<vmem>>, vector<1x16xf32>,
        %swap3A_553 = vector.shape_cast %swap3A_552 : vector<1x16xf32> to vector<16xf32>
        %swap3A_554 = vector.shape_cast %get3A_549 : vector<16xf32> to vector<1x16xf32>
        tpu.vector_store %arg11[%swap3A_550, %swap3A_551], %swap3A_554 {add = true, strides = array<i32>} : memref<200x64xf32, #tpu.memory_space<vmem>>, vector<1x16xf32>,
        %add3A_555 = arith.constant 3 : i32
        %add3A_556 = arith.addi %mul3A_361, %add3A_555 : i32
        %add3A_557 = arith.constant 3 : i32
        %add3A_558 = arith.addi %mul3A_361, %add3A_557 : i32
        %get3A_559 = arith.index_cast %add3A_558 : i32 to index
        %get3A_560 = arith.constant 48 : index
        %get3A_561 = tpu.vector_load %arg7[%get3A_559, %get3A_560] {strides = array<i32>} : memref<200x64xf32, #tpu.memory_space<vmem>>, vector<1x16xf32>,
        %get3A_562 = vector.shape_cast %get3A_561 : vector<1x16xf32> to vector<16xf32>
        %swap3A_563 = arith.index_cast %add3A_556 : i32 to index
        %swap3A_564 = arith.constant 48 : index
        %swap3A_565 = tpu.vector_load %arg11[%swap3A_563, %swap3A_564] {strides = array<i32>} : memref<200x64xf32, #tpu.memory_space<vmem>>, vector<1x16xf32>,
        %swap3A_566 = vector.shape_cast %swap3A_565 : vector<1x16xf32> to vector<16xf32>
        %swap3A_567 = vector.shape_cast %get3A_562 : vector<16xf32> to vector<1x16xf32>
        tpu.vector_store %arg11[%swap3A_563, %swap3A_564], %swap3A_567 {add = true, strides = array<i32>} : memref<200x64xf32, #tpu.memory_space<vmem>>, vector<1x16xf32>,
      }
      %scan3A_346 = arith.constant 50 : i32
      %mul3A_347 = arith.constant 200 : i32
      %mul3A_348 = arith.muli %add3A_334, %mul3A_347 : i32
      %add3A_349 = arith.addi %mul3A_4, %mul3A_348 : i32
      %dma_start3A_350 = arith.constant 0 : i32
      %dma_start3A_351 = tpu.memref_slice %arg5[%add3A_349, %dma_start3A_350] : memref<819200x64xf32, #tpu.memory_space<hbm>> -> memref<200x64xf32, #tpu.memory_space<hbm>>
      %dma_start3A_352 = arith.constant 0 : i32
      %dma_start3A_353 = tpu.memref_slice %arg5[%add3A_349, %dma_start3A_352] : memref<819200x64xf32, #tpu.memory_space<hbm>> -> memref<200x64xf32, #tpu.memory_space<hbm>>
      tpu.enqueue_dma source(%arg11 : memref<200x64xf32, #tpu.memory_space<vmem>>) target(%dma_start3A_353 : memref<200x64xf32, #tpu.memory_space<hbm>>) target_semaphore(%arg19 : memref<!tpu.dma_semaphore, #tpu.memory_space<semaphore_mem>>)
      %lt3A_354 = arith.constant 31 : i32
      %lt3A_355 = arith.cmpi slt, %scan3A_182, %lt3A_354 : i32
      %convert_element_type3A_356 = arith.extui %lt3A_355 : i1 to i32
      %cond3A_357 = arith.constant 0 : i32
      %cond3A_358 = arith.cmpi ne, %convert_element_type3A_356, %cond3A_357 : i32
      scf.if %cond3A_358 {
        %dma_wait3A_359 = arith.constant 0 : i32
        %dma_wait3A_360 = arith.constant 0 : i32
        %dma_wait3A_361 = tpu.memref_slice %arg5[%dma_wait3A_359, %dma_wait3A_360] : memref<819200x64xf32, #tpu.memory_space<hbm>> -> memref<200x64xf32, #tpu.memory_space<hbm>>
        %dma_wait3A_362 = arith.constant 0 : i32
        %dma_wait3A_363 = arith.constant 0 : i32
        %dma_wait3A_364 = tpu.memref_slice %arg5[%dma_wait3A_362, %dma_wait3A_363] : memref<819200x64xf32, #tpu.memory_space<hbm>> -> memref<200x64xf32, #tpu.memory_space<hbm>>
        tpu.wait_dma2 semaphore(%arg18 : memref<!tpu.dma_semaphore, #tpu.memory_space<semaphore_mem>>) src(%arg10 : memref<200x64xf32, #tpu.memory_space<vmem>>) dst(%dma_wait3A_364 : memref<200x64xf32, #tpu.memory_space<hbm>>)
        %add3A_365 = arith.constant 4 : i32
        %add3A_366 = arith.addi %add3A_334, %add3A_365 : i32
        %sub3A_367 = arith.constant 1 : i32
        %sub3A_368 = arith.subi %add3A_366, %sub3A_367 : i32
        %mul3A_369 = arith.constant 5 : i32
        %mul3A_370 = arith.muli %sub3A_368, %mul3A_369 : i32
        %add3A_371 = arith.constant 0 : i32
        %add3A_372 = arith.addi %mul3A_370, %add3A_371 : i32
        %dma_start3A_373 = arith.constant 0 : i32
        %dma_start3A_374 = arith.constant 0 : i32
        %dma_start3A_375 = tpu.memref_slice %arg10[%dma_start3A_373, %dma_start3A_374] : memref<200x64xf32, #tpu.memory_space<vmem>> -> memref<40x64xf32, #tpu.memory_space<vmem>>
        %dma_start3A_376 = arith.constant 0 : i32
        %dma_start3A_377 = tpu.memref_slice %arg6[%add3A_372, %dma_start3A_376] : memref<640x40xi32, #tpu.memory_space<vmem>> -> memref<1x40xi32, #tpu.memory_space<vmem>>
        %dma_start3A_378 = tpu.memref_squeeze %dma_start3A_377 : memref<1x40xi32, #tpu.memory_space<vmem>> -> memref<40xi32, #tpu.memory_space<vmem>>
        %dma_start3A_379 = arith.constant 0 : i32
        %dma_start3A_380 = arith.constant 0 : i32
        %dma_start3A_381 = tpu.memref_slice %arg3[%dma_start3A_379, %dma_start3A_380] : memref<1000000x64xf32, #tpu.memory_space<hbm>> -> memref<1000000x64xf32, #tpu.memory_space<hbm>>
        tpu.enqueue_indirect_dma source(%dma_start3A_381 : memref<1000000x64xf32, #tpu.memory_space<hbm>>) target(%dma_start3A_375 : memref<40x64xf32, #tpu.memory_space<vmem>>) offsets(%dma_start3A_378 : memref<40xi32, #tpu.memory_space<vmem>>) semaphore(%arg14 : memref<!tpu.dma_semaphore, #tpu.memory_space<semaphore_mem>>)
        %mul3A_382 = arith.constant 5 : i32
        %mul3A_383 = arith.muli %sub3A_368, %mul3A_382 : i32
        %add3A_384 = arith.constant 1 : i32
        %add3A_385 = arith.addi %mul3A_383, %add3A_384 : i32
        %dma_start3A_386 = arith.constant 40 : i32
        %dma_start3A_387 = arith.constant 0 : i32
        %dma_start3A_388 = tpu.memref_slice %arg10[%dma_start3A_386, %dma_start3A_387] : memref<200x64xf32, #tpu.memory_space<vmem>> -> memref<40x64xf32, #tpu.memory_space<vmem>>
        %dma_start3A_389 = arith.constant 0 : i32
        %dma_start3A_390 = tpu.memref_slice %arg6[%add3A_385, %dma_start3A_389] : memref<640x40xi32, #tpu.memory_space<vmem>> -> memref<1x40xi32, #tpu.memory_space<vmem>>
        %dma_start3A_391 = tpu.memref_squeeze %dma_start3A_390 : memref<1x40xi32, #tpu.memory_space<vmem>> -> memref<40xi32, #tpu.memory_space<vmem>>
        %dma_start3A_392 = arith.constant 0 : i32
        %dma_start3A_393 = arith.constant 0 : i32
        %dma_start3A_394 = tpu.memref_slice %arg3[%dma_start3A_392, %dma_start3A_393] : memref<1000000x64xf32, #tpu.memory_space<hbm>> -> memref<1000000x64xf32, #tpu.memory_space<hbm>>
        tpu.enqueue_indirect_dma source(%dma_start3A_394 : memref<1000000x64xf32, #tpu.memory_space<hbm>>) target(%dma_start3A_388 : memref<40x64xf32, #tpu.memory_space<vmem>>) offsets(%dma_start3A_391 : memref<40xi32, #tpu.memory_space<vmem>>) semaphore(%arg14 : memref<!tpu.dma_semaphore, #tpu.memory_space<semaphore_mem>>)
        %mul3A_395 = arith.constant 5 : i32
        %mul3A_396 = arith.muli %sub3A_368, %mul3A_395 : i32
        %add3A_397 = arith.constant 2 : i32
        %add3A_398 = arith.addi %mul3A_396, %add3A_397 : i32
        %dma_start3A_399 = arith.constant 80 : i32
        %dma_start3A_400 = arith.constant 0 : i32
        %dma_start3A_401 = tpu.memref_slice %arg10[%dma_start3A_399, %dma_start3A_400] : memref<200x64xf32, #tpu.memory_space<vmem>> -> memref<40x64xf32, #tpu.memory_space<vmem>>
        %dma_start3A_402 = arith.constant 0 : i32
        %dma_start3A_403 = tpu.memref_slice %arg6[%add3A_398, %dma_start3A_402] : memref<640x40xi32, #tpu.memory_space<vmem>> -> memref<1x40xi32, #tpu.memory_space<vmem>>
        %dma_start3A_404 = tpu.memref_squeeze %dma_start3A_403 : memref<1x40xi32, #tpu.memory_space<vmem>> -> memref<40xi32, #tpu.memory_space<vmem>>
        %dma_start3A_405 = arith.constant 0 : i32
        %dma_start3A_406 = arith.constant 0 : i32
        %dma_start3A_407 = tpu.memref_slice %arg3[%dma_start3A_405, %dma_start3A_406] : memref<1000000x64xf32, #tpu.memory_space<hbm>> -> memref<1000000x64xf32, #tpu.memory_space<hbm>>
        tpu.enqueue_indirect_dma source(%dma_start3A_407 : memref<1000000x64xf32, #tpu.memory_space<hbm>>) target(%dma_start3A_401 : memref<40x64xf32, #tpu.memory_space<vmem>>) offsets(%dma_start3A_404 : memref<40xi32, #tpu.memory_space<vmem>>) semaphore(%arg14 : memref<!tpu.dma_semaphore, #tpu.memory_space<semaphore_mem>>)
        %mul3A_408 = arith.constant 5 : i32
        %mul3A_409 = arith.muli %sub3A_368, %mul3A_408 : i32
        %add3A_410 = arith.constant 3 : i32
        %add3A_411 = arith.addi %mul3A_409, %add3A_410 : i32
        %dma_start3A_412 = arith.constant 120 : i32
        %dma_start3A_413 = arith.constant 0 : i32
        %dma_start3A_414 = tpu.memref_slice %arg10[%dma_start3A_412, %dma_start3A_413] : memref<200x64xf32, #tpu.memory_space<vmem>> -> memref<40x64xf32, #tpu.memory_space<vmem>>
        %dma_start3A_415 = arith.constant 0 : i32
        %dma_start3A_416 = tpu.memref_slice %arg6[%add3A_411, %dma_start3A_415] : memref<640x40xi32, #tpu.memory_space<vmem>> -> memref<1x40xi32, #tpu.memory_space<vmem>>
        %dma_start3A_417 = tpu.memref_squeeze %dma_start3A_416 : memref<1x40xi32, #tpu.memory_space<vmem>> -> memref<40xi32, #tpu.memory_space<vmem>>
        %dma_start3A_418 = arith.constant 0 : i32
        %dma_start3A_419 = arith.constant 0 : i32
        %dma_start3A_420 = tpu.memref_slice %arg3[%dma_start3A_418, %dma_start3A_419] : memref<1000000x64xf32, #tpu.memory_space<hbm>> -> memref<1000000x64xf32, #tpu.memory_space<hbm>>
        tpu.enqueue_indirect_dma source(%dma_start3A_420 : memref<1000000x64xf32, #tpu.memory_space<hbm>>) target(%dma_start3A_414 : memref<40x64xf32, #tpu.memory_space<vmem>>) offsets(%dma_start3A_417 : memref<40xi32, #tpu.memory_space<vmem>>) semaphore(%arg14 : memref<!tpu.dma_semaphore, #tpu.memory_space<semaphore_mem>>)
        %mul3A_421 = arith.constant 5 : i32
        %mul3A_422 = arith.muli %sub3A_368, %mul3A_421 : i32
        %add3A_423 = arith.constant 4 : i32
        %add3A_424 = arith.addi %mul3A_422, %add3A_423 : i32
        %dma_start3A_425 = arith.constant 160 : i32
        %dma_start3A_426 = arith.constant 0 : i32
        %dma_start3A_427 = tpu.memref_slice %arg10[%dma_start3A_425, %dma_start3A_426] : memref<200x64xf32, #tpu.memory_space<vmem>> -> memref<40x64xf32, #tpu.memory_space<vmem>>
        %dma_start3A_428 = arith.constant 0 : i32
        %dma_start3A_429 = tpu.memref_slice %arg6[%add3A_424, %dma_start3A_428] : memref<640x40xi32, #tpu.memory_space<vmem>> -> memref<1x40xi32, #tpu.memory_space<vmem>>
        %dma_start3A_430 = tpu.memref_squeeze %dma_start3A_429 : memref<1x40xi32, #tpu.memory_space<vmem>> -> memref<40xi32, #tpu.memory_space<vmem>>
        %dma_start3A_431 = arith.constant 0 : i32
        %dma_start3A_432 = arith.constant 0 : i32
        %dma_start3A_433 = tpu.memref_slice %arg3[%dma_start3A_431, %dma_start3A_432] : memref<1000000x64xf32, #tpu.memory_space<hbm>> -> memref<1000000x64xf32, #tpu.memory_space<hbm>>
        tpu.enqueue_indirect_dma source(%dma_start3A_433 : memref<1000000x64xf32, #tpu.memory_space<hbm>>) target(%dma_start3A_427 : memref<40x64xf32, #tpu.memory_space<vmem>>) offsets(%dma_start3A_430 : memref<40xi32, #tpu.memory_space<vmem>>) semaphore(%arg14 : memref<!tpu.dma_semaphore, #tpu.memory_space<semaphore_mem>>)
      } else {
      }
    }
    %scan3A_158 = arith.constant 32 : i32
    %dma_wait3A = arith.constant 0 : i32
    %dma_wait3A_159 = arith.constant 0 : i32
    %dma_wait3A_160 = tpu.memref_slice %arg5[%dma_wait3A, %dma_wait3A_159] : memref<819200x64xf32, #tpu.memory_space<hbm>> -> memref<200x64xf32, #tpu.memory_space<hbm>>
    %dma_wait3A_161 = arith.constant 0 : i32
    %dma_wait3A_162 = arith.constant 0 : i32
    %dma_wait3A_163 = tpu.memref_slice %arg5[%dma_wait3A_161, %dma_wait3A_162] : memref<819200x64xf32, #tpu.memory_space<hbm>> -> memref<200x64xf32, #tpu.memory_space<hbm>>
    tpu.wait_dma2 semaphore(%arg16 : memref<!tpu.dma_semaphore, #tpu.memory_space<semaphore_mem>>) src(%arg8 : memref<200x64xf32, #tpu.memory_space<vmem>>) dst(%dma_wait3A_163 : memref<200x64xf32, #tpu.memory_space<hbm>>)
    %dma_wait3A_164 = arith.constant 0 : i32
    %dma_wait3A_165 = arith.constant 0 : i32
    %dma_wait3A_166 = tpu.memref_slice %arg5[%dma_wait3A_164, %dma_wait3A_165] : memref<819200x64xf32, #tpu.memory_space<hbm>> -> memref<200x64xf32, #tpu.memory_space<hbm>>
    %dma_wait3A_167 = arith.constant 0 : i32
    %dma_wait3A_168 = arith.constant 0 : i32
    %dma_wait3A_169 = tpu.memref_slice %arg5[%dma_wait3A_167, %dma_wait3A_168] : memref<819200x64xf32, #tpu.memory_space<hbm>> -> memref<200x64xf32, #tpu.memory_space<hbm>>
    tpu.wait_dma2 semaphore(%arg17 : memref<!tpu.dma_semaphore, #tpu.memory_space<semaphore_mem>>) src(%arg9 : memref<200x64xf32, #tpu.memory_space<vmem>>) dst(%dma_wait3A_169 : memref<200x64xf32, #tpu.memory_space<hbm>>)
    %dma_wait3A_170 = arith.constant 0 : i32
    %dma_wait3A_171 = arith.constant 0 : i32
    %dma_wait3A_172 = tpu.memref_slice %arg5[%dma_wait3A_170, %dma_wait3A_171] : memref<819200x64xf32, #tpu.memory_space<hbm>> -> memref<200x64xf32, #tpu.memory_space<hbm>>
    %dma_wait3A_173 = arith.constant 0 : i32
    %dma_wait3A_174 = arith.constant 0 : i32
    %dma_wait3A_175 = tpu.memref_slice %arg5[%dma_wait3A_173, %dma_wait3A_174] : memref<819200x64xf32, #tpu.memory_space<hbm>> -> memref<200x64xf32, #tpu.memory_space<hbm>>
    tpu.wait_dma2 semaphore(%arg18 : memref<!tpu.dma_semaphore, #tpu.memory_space<semaphore_mem>>) src(%arg10 : memref<200x64xf32, #tpu.memory_space<vmem>>) dst(%dma_wait3A_175 : memref<200x64xf32, #tpu.memory_space<hbm>>)
    %dma_wait3A_176 = arith.constant 0 : i32
    %dma_wait3A_177 = arith.constant 0 : i32
    %dma_wait3A_178 = tpu.memref_slice %arg5[%dma_wait3A_176, %dma_wait3A_177] : memref<819200x64xf32, #tpu.memory_space<hbm>> -> memref<200x64xf32, #tpu.memory_space<hbm>>
    %dma_wait3A_179 = arith.constant 0 : i32
    %dma_wait3A_180 = arith.constant 0 : i32
    %dma_wait3A_181 = tpu.memref_slice %arg5[%dma_wait3A_179, %dma_wait3A_180] : memref<819200x64xf32, #tpu.memory_space<hbm>> -> memref<200x64xf32, #tpu.memory_space<hbm>>
    tpu.wait_dma2 semaphore(%arg19 : memref<!tpu.dma_semaphore, #tpu.memory_space<semaphore_mem>>) src(%arg11 : memref<200x64xf32, #tpu.memory_space<vmem>>) dst(%dma_wait3A_181 : memref<200x64xf32, #tpu.memory_space<hbm>>)
    return
  }
}

</mosaic_0001>

<sc_bundles>
// kernel: kernel.3.cloned.1.call-start
scs
__scs_entry_jumppad:
0x0: {  	(pc) =	sbr.rel $0x88, $3  }
0x1: {  	(tag) =	ssettag $0x0;
	lr =	simm.s32 $0x1  }
0x2: {  	[smem:$0x3F9E] =	sst lr;
	_ =	strace $0xD0000000  }
0x3: {  	_ = 	snop  }
0x4: {  	_ = 	snop  }
0x5: {  	_ = 	snop  }
0x6: {  	_ = 	snop  }
0x7: {  	_ = 	snop  }
__scs_overlays_trampoline_lowered:
0x8: {  	[smem:$0x3FAD] =	sst s0  }
0x9: {  	[smem:$0x3FAE] =	sst s1  }
0xa: {  	[smem:$0x3FAF] =	sst s2  }
0xb: {  	[smem:$0x3FB0] =	sst s3  }
0xc: {  	[smem:$0x3FB1] =	sst s4  }
0xd: {  	[smem:$0x3FB2] =	sst s5  }
0xe: {  	[smem:$0x3FB3] =	sst s6  }
0xf: {  	[smem:$0x3FB4] =	sst s7  }
0x10: {  	[smem:$0x3FB5] =	sst s8  }
0x11: {  	[smem:$0x3FB6] =	sst s9;
	s0 =	simm.s32 @!p0 $0x0  }
0x12: {  	s1 =	sld [smem:$0x3F9C];
	s0 =	simm.s32 @p0 $0x1  }
0x13: {  	[smem:$0x3FB7] =	sst s0;
	s0 =	simm.s32 @!p1 $0x0  }
0x14: {  	s2 =	sld [smem:$0x3F9B];
	s0 =	simm.s32 @p1 $0x1  }
0x15: {  	[smem:$0x3FB8] =	sst s0;
	s0 =	simm.s32 @!p2 $0x0  }
0x16: {  	s3 =	sld [smem:$0x3FDB];
	s0 =	simm.s32 @p2 $0x1  }
0x17: {  	s4 =	simm.s32 $0x1BF5;
	[smem:$0x3FBA] =	sst s0  }
0x18: {  	s0 =	sld [smem:$0x3F9D];
	_ =	swait.ge [sflag:s4], $0x0  }
0x19: {  	s7 =	sld [smem:$0x3F9E]  }
0x1a: {  	s8 =	sadd.s32 $0xFFFFE003, lr  }
0x1b: {  	s9 =	sadd.s32 $0xFFFFFEF7, lr;
	s5 =	simm.s32 $0xFFFFFFFF;
	p2 =	slt.u32 s8, $0xFFFFF086  }
0x1c: {  	p1 =	slt.u32 s9, $0xF7A;
	s5 =	simm.s32 @!p2 $0x0  }
0x1d: {  	s5 =	simm.s32 @p1 $0x1;
	p0 =	seq.s32 s7, s2  }
0x1e: {  	s7 =	smul.u32 @!p0 $0xF7A, s2;
	p2 =	seq.s32 @!p0 s5, $0x0  }
0x1f: {  	s9 =	smul.u32 $0xF7A, s1;
	s8 =	simm.s32 @!p0 $0x1BF5;
	p2 =	por !p2, p0  }
0x20: {  	[sflag:s8] =	ssyncset.s32 @!p0 $0xFFFFF086;
	s6 =	sadd.s32 @!p0 s3, s7;
	s7 =	simm.s32 @!p0 $0x108  }
0x21: {  	s3 =	sadd.s32 s3, s9;
	s6 =	sadd.s32 @!p0 $0x88, s6;
	s7 =	simm.s32 @p2 $0x1082  }
0x22: {  	[simem:s7], [sflag:s8] =	dma.local @!p0 [hbm:s6], $0xF7A  }
0x23: {  	s9 =	sor.u32 $0xD0000000, s2;
	s6 =	simm.s32 $0x108;
	_ =	swait.ge @!p0 [sflag:s8], $0x0  }
0x24: {  	s3 =	sadd.s32 $0x88, s3;
	s6 =	simm.s32 @!p1 $0x1082;
	[sflag:s4] =	ssyncset.s32 $0xFFFFF086  }
0x25: {  	[simem:s6], [sflag:s4] =	dma.local [hbm:s3], $0xF7A  }
0x26: {  	[smem:$0x3F9E] =	sst s1;
	(tag) =	ssettag s2;
	_ =	strace s9  }
0x27: {  	s1 =	sld [smem:$0x3FAE]  }
0x28: {  	s2 =	sld [smem:$0x3FAF]  }
0x29: {  	s4 =	sld [smem:$0x3FB1]  }
0x2a: {  	p0 =	seq.s32 s5, $0x0;
	s5 =	sld [smem:$0x3FB2]  }
0x2b: {  	s6 =	sld [smem:$0x3FB3]  }
0x2c: {  	s7 =	sld [smem:$0x3FB4]  }
0x2d: {  	s3 =	simm.s32 $0x108;
	s8 =	sld [smem:$0x3FB5]  }
0x2e: {  	s3 =	simm.s32 @!p0 $0x1082;
	s9 =	sld [smem:$0x3FB6]  }
0x2f: {  	lr =	sadd.s32 s0, s3;
	s0 =	sld [smem:$0x3FAD]  }
0x30: {  	s3 =	sld [smem:$0x3FB0]  }
0x31: {  	[smem:$0x3FB9] =	sst s10  }
0x32: {  	s10 =	sld [smem:$0x3FB7];
	_ =	sdelay $0x3  }
0x33: {  	p0 =	seq.s32 s10, $0x1;
	s10 =	sld [smem:$0x3FB9];
	_ =	sdelay $0x3  }
0x34: {  	[smem:$0x3FB9] =	sst s10  }
0x35: {  	s10 =	sld [smem:$0x3FB8];
	_ =	sdelay $0x3  }
0x36: {  	p1 =	seq.s32 s10, $0x1;
	s10 =	sld [smem:$0x3FB9];
	_ =	sdelay $0x3  }
0x37: {  	[smem:$0x3FB9] =	sst s10  }
0x38: {  	s10 =	sld [smem:$0x3FBA]  }
0x39: {  	_ = 	snop;
	(pc) =	sbr.ind lr, $3  }
0x3a: {  	_ = 	snop  }
0x3b: {  	_ = 	snop  }
0x3c: {  	p2 =	seq.s32 s10, $0x1;
	s10 =	sld [smem:$0x3FB9]  }
0x3d: {  	_ =	shalt  }
0x3e: {  	_ =	shalt  }
0x3f: {  	_ =	shalt  }
0x40: {  	_ =	shalt  }
0x41: {  	_ =	shalt  }
0x42: {  	_ =	shalt  }
0x43: {  	_ =	shalt  }
0x44: {  	_ =	shalt  }
0x45: {  	_ =	shalt  }
0x46: {  	_ =	shalt  }
0x47: {  	_ =	shalt  }
0x48: {  	_ =	shalt  }
0x49: {  	_ =	shalt  }
0x4a: {  	_ =	shalt  }
0x4b: {  	_ =	shalt  }
0x4c: {  	_ =	shalt  }
0x4d: {  	_ =	shalt  }
0x4e: {  	_ =	shalt  }
0x4f: {  	_ =	shalt  }
0x50: {  	_ =	shalt  }
0x51: {  	_ =	shalt  }
0x52: {  	_ =	shalt  }
0x53: {  	_ =	shalt  }
0x54: {  	_ =	shalt  }
0x55: {  	_ =	shalt  }
0x56: {  	_ =	shalt  }
0x57: {  	_ =	shalt  }
0x58: {  	_ =	shalt  }
0x59: {  	_ =	shalt  }
0x5a: {  	_ =	shalt  }
0x5b: {  	_ =	shalt  }
0x5c: {  	_ =	shalt  }
0x5d: {  	_ =	shalt  }
0x5e: {  	_ =	shalt  }
0x5f: {  	_ =	shalt  }
0x60: {  	_ =	shalt  }
0x61: {  	_ =	shalt  }
0x62: {  	_ =	shalt  }
0x63: {  	_ =	shalt  }
0x64: {  	_ =	shalt  }
0x65: {  	_ =	shalt  }
0x66: {  	_ =	shalt  }
0x67: {  	_ =	shalt  }
0x68: {  	_ =	shalt  }
0x69: {  	_ =	shalt  }
0x6a: {  	_ =	shalt  }
0x6b: {  	_ =	shalt  }
0x6c: {  	_ =	shalt  }
0x6d: {  	_ =	shalt  }
0x6e: {  	_ =	shalt  }
0x6f: {  	_ =	shalt  }
0x70: {  	_ =	shalt  }
0x71: {  	_ =	shalt  }
0x72: {  	_ =	shalt  }
0x73: {  	_ =	shalt  }
0x74: {  	_ =	shalt  }
0x75: {  	_ =	shalt  }
0x76: {  	_ =	shalt  }
0x77: {  	_ =	shalt  }
0x78: {  	_ =	shalt  }
0x79: {  	_ =	shalt  }
0x7a: {  	_ =	shalt  }
0x7b: {  	_ =	shalt  }
0x7c: {  	_ =	shalt  }
0x7d: {  	_ =	shalt  }
0x7e: {  	_ =	shalt  }
0x7f: {  	_ =	shalt  }
0x80: {  	_ =	shalt  }
0x81: {  	_ =	shalt  }
0x82: {  	_ =	shalt  }
0x83: {  	_ =	shalt  }
0x84: {  	_ =	shalt  }
0x85: {  	_ =	shalt  }
0x86: {  	_ =	shalt  }
0x87: {  	_ =	shalt  }
.Lfunc_end0:
.L_simem_size_0:
called_computation.1_lowered:
.L_overlay_start_0:
0x88: {  	s2 =	sld [smem:$0x3FD9]  }
0x89: {  	s3 =	sld [smem:$0x3FFE];
	_ =	sdelay $0x1  }
0x8a: {  	s1 =	srdreg.scid  }
0x8b: {  	s0 =	sand.u32 $0x1, s1  }
0x8c: {  	s17 =	sshll.u32 s0, $0xA;
	s2 =	sadd.s32 s3, s2  }
0x8d: {  	s2 =	sadd.s32 s2, s17  }
0x8e: {  	[smem:$0x3FC5] =	sst s2  }
0x8f: {  	_ = 	snop  }
0x90: {  	s2 =	sld [smem:$0x3FD0];
	(tm) =	ssettm $0x1  }
0x91: {  	s18 =	sld [smem:$0x3FFB];
	_ =	sdelay $0x3  }
0x92: {  	_ =	strace s18  }
0x93: {  	s3 =	sld [smem:$0x3FFC];
	_ =	sdelay $0x3  }
0x94: {  	_ =	strace s3  }
0x95: {  	s3 =	sld [smem:$0x3FFD];
	_ =	sdelay $0x3  }
0x96: {  	_ =	strace s3  }
0x97: {  	_ =	strace $0x8FFFFFFF  }
0x98: {  	s19 =	sld [smem:$0x3FDB];
	_ =	sdelay $0x1  }
0x99: {  	s4 =	simm.s32 $_scs_section_size  }
0x9a: {  	s5 =	simm.s32 $_size__tile_overlayer_lowered;
	s6 =	simm.s32 $_tile_overlayer_lowered  }
0x9b: {  	s22 =	simm.s32 $0x1BFF;
	s21 =	sshll.u32 s6, $0x1;
	s3 =	sadd.s32 s4, s19  }
0x9c: {  	s7 =	simm.s32 $0x0;
	s20 =	sshll.u32 s5, $0x1;
	s5 =	sadd.s32 s21, s3  }
0x9d: {  	[timem:s7], [sflag:s22] =	dma.local [hbm:s5], s20  }
0x9e: {  	_ =	swait.ge [sflag:s22], s20  }
0x9f: {  	s4 =	ssub.s32 $0x0, s20;
	[sflag:s22] =	ssyncset.done $0x0  }
0xa0: {  	[sflag:s22] =	ssyncadd.s32 s4;
	_ =	sdelay $0x1  }
0xa1: {  	s23 =	simm.s32 $0x1B8B  }
0xa2: {  	_ =	swait.ge [sflag:s23], $0x1  }
0xa3: {  	[sflag:s23] =	ssyncset.done $0x0  }
0xa4: {  	s25 =	simm.s32 $0x1B8E;
	s24 =	sld [smem:$0x3FFE];
	[sflag:s23] =	ssyncadd.s32 $0xFFFFFFFF  }
0xa5: {  	s26 =	simm.s32 $execute0_lowered;
	[smem:$0x3FD2] =	sst s25  }
0xa6: {  	s5 =	sshll.u32 s26, $0x1;
	_ =	strace $0x80000046;
	[dreg:$0x1] =	wrdreg $0xFFFFFFFF  }
0xa7: {  	s28 =	simm.s32 $_size_execute0_lowered;
	s3 =	sadd.s32 s3, s5;
	[dreg:$0x0] =	wrdreg $0x0  }
0xa8: {  	s5 =	sshll.u32 s28, $0x1;
	[dreg:$0x2] =	wrdreg s3  }
0xa9: {  	[dreg:$0x3] =	wrdreg s5  }
0xaa: {  	[dreg:$0x4] =	wrdreg $0xC0  }
0xab: {  	_ =	task [dreg:s7], $0x5FFFF  }
0xac: {  	[dreg:$0x1] =	wrdreg $0xFFFFFFFF  }
0xad: {  	[dreg:$0x0] =	wrdreg $0x60  }
0xae: {  	[dreg:$0x2] =	wrdreg s24  }
0xaf: {  	[dreg:$0x3] =	wrdreg s2  }
0xb0: {  	[dreg:$0x4] =	wrdreg $0x9  }
0xb1: {  	_ =	task.clear_ibuf [dreg:s7], $0x5FFFF;
	_ =	strace $0x90000046  }
0xb2: {  	s29 =	simm.s32 $0x9;
	_ =	strace $0x80000048  }
0xb3: {  	_ =	swait.ge [sflag:s29], $0x1  }
0xb4: {  	[sflag:s29] =	ssyncadd.s32 $0xFFFFFFFF  }
0xb5: {  	_ =	strace $0x90000048  }
0xb6: {  	_ =	sfence  }
0xb7: {  	s30 =	sld [smem:$0x0];
	_ =	sdelay $0x2  }
0xb8: {  	s31 =	sshll.u32 s1, $0xD;
	s1 =	sshrl.u32 s1, $0x2  }
0xb9: {  	s3 =	sand.u32 $0x4000, s31;
	s1 =	sadd.s32 s1, s30  }
0xba: {  	s0 =	sor.u32 s3, s0;
	s1 =	sshll.u32 s1, $0x11  }
0xbb: {  	s0 =	sor.u32 s1, s0  }
0xbc: {  	s0 =	sadd.s32 $0x8F2B, s0  }
0xbd: {  	[sflag:s0] =	ssyncadd.remote.s32 $0x1  }
0xbe: {  	_ =	sfence.sel $0xFFFF  }
0xbf: {  	[dreg:$0x0] =	wrdreg $0xFFFFFFFF;
	(pc) =	sbr.abs _section_cstart, $3  }
0xc0: {  	[dreg:$0x1] =	wrdreg $0xFFFFFFFF  }
0xc1: {  	_ =	task.clear_ibuf [dreg:s7], $0x2FFFF;
	_ =	strace $0x9FFFFFFF  }
0xc2: {  	(tm) =	ssettm $0x7FFFFFFF  }
0xc3: {  	_ =	shalt  }
tec
execute0_lowered:
.L_overlay_start_1:
0x0: {  	(tag) =	ssettag $0x1  }
0x1: {  	s0 =	srdreg.scid  }
0x2: {  	s2 =	stileid.u32;
	s1 =	rddreg [dreg:$0x0]  }
0x3: {  	s13 =	simm.s32 $0x28;
	s14 =	simm.s32 $0x9600;
	s23 =	simm.s32 $0xC800  }
0x4: {  	s12 =	simm.s32 $0xFA00;
	s16 =	simm.s32 $0x10400;
	s18 =	simm.s32 $0x10E00  }
0x5: {  	s20 =	simm.s32 $0x11800;
	s22 =	simm.s32 $0x12200;
	s24 =	simm.s32 $0x1  }
0x6: {  	s25 =	simm.s32 $0x12C00;
	s28 =	simm.s32 $0x14000;
	s29 =	simm.s32 $0x14A00  }
0x7: {  	s30 =	simm.s32 $0x15400;
	s31 =	simm.s32 $0x2;
	s19 =	simm.s32 $0x7  }
0x8: {  	s10 =	simm.s32 $0x0;
	s0 =	sand.u32 $0x1, s0;
	s3 =	sshll.u32 s2, $0x1  }
0x9: {  	s2 =	rddreg [dreg:$0x1];
	s5 =	sor.u32 s0, s3;
	s3 =	simm.s32 $0x0  }
0xa: {  	s0 =	ssub.s32 $0x2, s0;
	s4 =	smul.u32 $0xC80, s5;
	[smem:$0x7FF] =	sst s3  }
0xb: {  	s7 =	sshrl.u32 s0, $0x1;
	s5 =	smul.u32 $0x6400, s5;
	_ =	strace $0x80000047  }
.Ltmp0:
0xc: {  	s0 =	ssub.s32 s0, s7;
	s6 =	sadd.s32 s4, s1;
	(pc) =	sbr.rel .LBB2_1-.Ltmp0, $4  }
0xd: {  	s4 =	sadd.s32 $0xF43000, s1;
	s1 =	sadd.s32 $0x19C00, s1;
	s8 =	sor.u32 $0xC8, s5  }
0xe: {  	s9 =	sor.u32 $0x190, s5;
	s0 =	smax.u32 s0, $0x1;
	[dreg:$0x3] =	wrdreg s1  }
0xf: {  	s26 =	sadd.s32 $0xC00, s6;
	[dreg:$0x5] =	wrdreg s0;
	s1 =	simm.s32 $0x3  }
0x10: {  	s0 =	simm.s32 $0x4;
	[dreg:$0x4] =	wrdreg s26;
	s26 =	simm.s32 $0x13600  }
.LBB2_12:
0x11: {  	s6 =	simm.s32 $0x5  }
0x12: {  	_ =	swait.ge [sflag:s6], $0x3200  }
0x13: {  	[sflag:s6] =	ssyncset.done $0x0  }
0x14: {  	s17 =	simm.s32 $0x6;
	[sflag:s6] =	ssyncadd.s32 $0xFFFFCE00  }
0x15: {  	_ =	swait.ge [sflag:s17], $0x3200  }
0x16: {  	[sflag:s17] =	ssyncset.done $0x0  }
0x17: {  	[sflag:s17] =	ssyncadd.s32 $0xFFFFCE00  }
0x18: {  	_ =	swait.ge [sflag:s19], $0x3200  }
0x19: {  	[sflag:s19] =	ssyncset.done $0x0  }
0x1a: {  	s7 =	simm.s32 $0x8;
	[sflag:s19] =	ssyncadd.s32 $0xFFFFCE00  }
0x1b: {  	_ =	swait.ge [sflag:s7], $0x3200  }
0x1c: {  	s10 =	rddreg [dreg:$0x6]  }
0x1d: {  	s21 =	rddreg [dreg:$0x5];
	s10 =	sadd.s32 $0x1, s10  }
0x1e: {  	p0 =	sne.s32 s10, s21  }
.Ltmp1:
0x1f: {  	_ = 	snop;
	(pc) =	sbr.rel @!p0 .LBB2_13-.Ltmp1, $3  }
0x20: {  	_ =	sdelay $0x1  }
0x21: {  	[sflag:s7] =	ssyncset.done $0x0  }
0x22: {  	[sflag:s7] =	ssyncadd.s32 $0xFFFFCE00  }
.LBB2_1:
0x23: {  	[dreg:$0x6] =	wrdreg s10  }
0x24: {  	s6 =	rddreg [dreg:$0x4];
	s7 =	simm.s32 $0x9  }
0x25: {  	[tilespmem:s3], [sflag:$0x9] =	stream.linear.gather [hbm4b:s6+s3], $0x6400, $0x38;
	[tilespmem:$0x15E00] =	vst v63  }
0x26: {  	_ =	swait.ge [sflag:s7], $0x6400  }
0x27: {  	[sflag:s7] =	ssyncset.done $0x0  }
0x28: {  	s21 =	simm.s32 $0x6400;
	s17 =	rddreg [dreg:$0x3];
	[sflag:s7] =	ssyncadd.s32 $0xFFFF9C00  }
0x29: {  	[tilespmem:s21], [sflag:$0x9] =	stream.linear.gather [hbm4b:s17+s3], $0x3200, $0x38;
	[tilespmem:$0x15E00] =	vst v63  }
0x2a: {  	_ =	swait.ge [sflag:s7], $0x3200  }
0x2b: {  	[sflag:s7] =	ssyncset.done $0x0  }
0x2c: {  	[sflag:s7] =	ssyncadd.s32 $0xFFFFCE00  }
0x2d: {  	[tilespmem:s14], [sflag:$0x1] =	stream.indirect.gather [hbm4b:s4+s13], $0x40, s3, s13, $0xb8;
	[tilespmem:$0x15E00] =	vst v63  }
0x2e: {  	s10 =	simm.s32 $0xA000  }
0x2f: {  	[tilespmem:s10], [sflag:$0x1] =	stream.indirect.gather [hbm4b:s4+s13], $0x40, s13, s13, $0xb8;
	[tilespmem:$0x15E00] =	vst v63  }
0x30: {  	s11 =	simm.s32 $0x50;
	s15 =	simm.s32 $0xAA00  }
0x31: {  	[tilespmem:s15], [sflag:$0x1] =	stream.indirect.gather [hbm4b:s4+s13], $0x40, s11, s13, $0xb8;
	[tilespmem:$0x15E00] =	vst v63  }
0x32: {  	s17 =	simm.s32 $0x78;
	s21 =	simm.s32 $0xB400  }
0x33: {  	[tilespmem:s21], [sflag:$0x1] =	stream.indirect.gather [hbm4b:s4+s13], $0x40, s17, s13, $0xb8;
	[tilespmem:$0x15E00] =	vst v63  }
0x34: {  	s10 =	simm.s32 $0xA0;
	s11 =	simm.s32 $0xBE00  }
0x35: {  	[tilespmem:s11], [sflag:$0x1] =	stream.indirect.gather [hbm4b:s4+s13], $0x40, s10, s13, $0xb8;
	[tilespmem:$0x15E00] =	vst v63  }
0x36: {  	s15 =	simm.s32 $0xC8  }
0x37: {  	[tilespmem:s23], [sflag:$0x2] =	stream.indirect.gather [hbm4b:s4+s13], $0x40, s15, s13, $0xb8;
	[tilespmem:$0x15E00] =	vst v63  }
0x38: {  	s17 =	simm.s32 $0xF0;
	s21 =	simm.s32 $0xD200  }
0x39: {  	[tilespmem:s21], [sflag:$0x2] =	stream.indirect.gather [hbm4b:s4+s13], $0x40, s17, s13, $0xb8;
	[tilespmem:$0x15E00] =	vst v63  }
0x3a: {  	s7 =	simm.s32 $0x118;
	s10 =	simm.s32 $0xDC00  }
0x3b: {  	[tilespmem:s10], [sflag:$0x2] =	stream.indirect.gather [hbm4b:s4+s13], $0x40, s7, s13, $0xb8;
	[tilespmem:$0x15E00] =	vst v63  }
0x3c: {  	s11 =	simm.s32 $0x140;
	s15 =	simm.s32 $0xE600  }
0x3d: {  	[tilespmem:s15], [sflag:$0x2] =	stream.indirect.gather [hbm4b:s4+s13], $0x40, s11, s13, $0xb8;
	[tilespmem:$0x15E00] =	vst v63  }
0x3e: {  	s17 =	simm.s32 $0x168;
	s21 =	simm.s32 $0xF000  }
0x3f: {  	[tilespmem:s21], [sflag:$0x2] =	stream.indirect.gather [hbm4b:s4+s13], $0x40, s17, s13, $0xb8;
	[tilespmem:$0x15E00] =	vst v63  }
0x40: {  	s10 =	simm.s32 $0x190  }
0x41: {  	[tilespmem:s12], [sflag:$0x3] =	stream.indirect.gather [hbm4b:s4+s13], $0x40, s10, s13, $0xb8;
	[tilespmem:$0x15E00] =	vst v63  }
0x42: {  	s11 =	simm.s32 $0x1B8  }
0x43: {  	[tilespmem:s16], [sflag:$0x3] =	stream.indirect.gather [hbm4b:s4+s13], $0x40, s11, s13, $0xb8;
	[tilespmem:$0x15E00] =	vst v63  }
0x44: {  	s15 =	simm.s32 $0x1E0  }
0x45: {  	[tilespmem:s18], [sflag:$0x3] =	stream.indirect.gather [hbm4b:s4+s13], $0x40, s15, s13, $0xb8;
	[tilespmem:$0x15E00] =	vst v63  }
0x46: {  	s17 =	simm.s32 $0x208  }
0x47: {  	[tilespmem:s20], [sflag:$0x3] =	stream.indirect.gather [hbm4b:s4+s13], $0x40, s17, s13, $0xb8;
	[tilespmem:$0x15E00] =	vst v63  }
0x48: {  	s7 =	simm.s32 $0x0;
	s21 =	simm.s32 $0x230  }
0x49: {  	[tilespmem:s22], [sflag:$0x3] =	stream.indirect.gather [hbm4b:s4+s13], $0x40, s21, s13, $0xb8;
	[tilespmem:$0x15E00] =	vst v63  }
.LBB2_2:
0x4a: {  	_ =	swait.ge [sflag:s24], $0x3200  }
0x4b: {  	[sflag:s24] =	ssyncset.done $0x0  }
0x4c: {  	s10 =	simm.s32 $0x0;
	s15 =	simm.s32 $0x400;
	[sflag:s24] =	ssyncadd.s32 $0xFFFFCE00  }
.LBB2_3:
0x4d: {  	p0 =	sne.s32 s15, $0xC400;
	v0 =	vld [tilespmem:s10+$0x64F0]  }
0x4e: {  	v1 =	vld [tilespmem:s10+$0x6400]  }
0x4f: {  	v2 =	vld [tilespmem:s10+$0x6410]  }
0x50: {  	v3 =	vld [tilespmem:s10+$0x6420]  }
0x51: {  	v4 =	vld [tilespmem:s10+$0x6430]  }
0x52: {  	[tilespmem:s10+$0x96F0] =	vst.add.f32.msk $0xffff, v0  }
0x53: {  	v0 =	vld [tilespmem:s10+$0x6440]  }
0x54: {  	v5 =	vld [tilespmem:s10+$0x6450]  }
0x55: {  	v6 =	vld [tilespmem:s10+$0x6460]  }
0x56: {  	v7 =	vld [tilespmem:s10+$0x6470]  }
0x57: {  	v8 =	vld [tilespmem:s10+$0x6480]  }
0x58: {  	v9 =	vld [tilespmem:s10+$0x6490]  }
0x59: {  	v10 =	vld [tilespmem:s10+$0x64A0]  }
0x5a: {  	v11 =	vld [tilespmem:s10+$0x64B0]  }
0x5b: {  	v12 =	vld [tilespmem:s10+$0x64C0]  }
0x5c: {  	v13 =	vld [tilespmem:s10+$0x64D0]  }
0x5d: {  	v14 =	vld [tilespmem:s10+$0x64E0]  }
0x5e: {  	[tilespmem:s10+$0x9600] =	vst.add.f32.msk $0xffff, v1  }
0x5f: {  	[tilespmem:s10+$0x9610] =	vst.add.f32.msk $0xffff, v2  }
0x60: {  	[tilespmem:s10+$0x9620] =	vst.add.f32.msk $0xffff, v3  }
0x61: {  	[tilespmem:s10+$0x9630] =	vst.add.f32.msk $0xffff, v4  }
0x62: {  	[tilespmem:s10+$0x9640] =	vst.add.f32.msk $0xffff, v0  }
0x63: {  	[tilespmem:s10+$0x9650] =	vst.add.f32.msk $0xffff, v5  }
0x64: {  	[tilespmem:s10+$0x9660] =	vst.add.f32.msk $0xffff, v6  }
0x65: {  	[tilespmem:s10+$0x9670] =	vst.add.f32.msk $0xffff, v7  }
0x66: {  	[tilespmem:s10+$0x9680] =	vst.add.f32.msk $0xffff, v8  }
0x67: {  	[tilespmem:s10+$0x9690] =	vst.add.f32.msk $0xffff, v9  }
.Ltmp2:
0x68: {  	[tilespmem:s10+$0x96A0] =	vst.add.f32.msk $0xffff, v10;
	(pc) =	sbr.rel @p0 .LBB2_3-.Ltmp2, $4  }
0x69: {  	[tilespmem:s10+$0x96B0] =	vst.add.f32.msk $0xffff, v11  }
0x6a: {  	[tilespmem:s10+$0x96C0] =	vst.add.f32.msk $0xffff, v12  }
0x6b: {  	[tilespmem:s10+$0x96D0] =	vst.add.f32.msk $0xffff, v13  }
0x6c: {  	[tilespmem:s10+$0x96E0] =	vst.add.f32.msk $0xffff, v14;
	s10 =	sshra.s32 s15, $0x2;
	s15 =	sadd.s32 $0x400, s15  }
0x6d: {  	v0 =	vld [tilespmem:s10+$0x64F0]  }
0x6e: {  	v1 =	vld [tilespmem:s10+$0x6400]  }
0x6f: {  	v2 =	vld [tilespmem:s10+$0x6410]  }
0x70: {  	v3 =	vld [tilespmem:s10+$0x6420]  }
0x71: {  	v4 =	vld [tilespmem:s10+$0x6430]  }
0x72: {  	v63 =	vld [tilespmem:s10+$0x6440]  }
0x73: {  	v5 =	vld [tilespmem:s10+$0x6450]  }
0x74: {  	v6 =	vld [tilespmem:s10+$0x6460]  }
0x75: {  	v7 =	vld [tilespmem:s10+$0x6470]  }
0x76: {  	v8 =	vld [tilespmem:s10+$0x6480]  }
0x77: {  	v9 =	vld [tilespmem:s10+$0x6490]  }
0x78: {  	v10 =	vld [tilespmem:s10+$0x64A0]  }
0x79: {  	v11 =	vld [tilespmem:s10+$0x64B0]  }
0x7a: {  	v12 =	vld [tilespmem:s10+$0x64C0]  }
0x7b: {  	v13 =	vld [tilespmem:s10+$0x64D0]  }
0x7c: {  	v14 =	vld [tilespmem:s10+$0x64E0]  }
0x7d: {  	[tilespmem:s10+$0x96F0] =	vst.add.f32.msk $0xffff, v0  }
0x7e: {  	[tilespmem:s10+$0x9600] =	vst.add.f32.msk $0xffff, v1  }
0x7f: {  	[tilespmem:s10+$0x9610] =	vst.add.f32.msk $0xffff, v2  }
0x80: {  	[tilespmem:s10+$0x9620] =	vst.add.f32.msk $0xffff, v3  }
0x81: {  	[tilespmem:s10+$0x9630] =	vst.add.f32.msk $0xffff, v4  }
0x82: {  	[tilespmem:s10+$0x9640] =	vst.add.f32.msk $0xffff, v63  }
0x83: {  	[tilespmem:s10+$0x9650] =	vst.add.f32.msk $0xffff, v5  }
0x84: {  	[tilespmem:s10+$0x9660] =	vst.add.f32.msk $0xffff, v6  }
0x85: {  	[tilespmem:s10+$0x9670] =	vst.add.f32.msk $0xffff, v7  }
0x86: {  	[tilespmem:s10+$0x9680] =	vst.add.f32.msk $0xffff, v8  }
0x87: {  	[tilespmem:s10+$0x9690] =	vst.add.f32.msk $0xffff, v9  }
0x88: {  	s15 =	smul.u32 $0x320, s7;
	[tilespmem:s10+$0x96A0] =	vst.add.f32.msk $0xffff, v10  }
0x89: {  	[tilespmem:s10+$0x96B0] =	vst.add.f32.msk $0xffff, v11  }
0x8a: {  	s11 =	sadd.s32 s5, s15;
	[tilespmem:s10+$0x96C0] =	vst.add.f32.msk $0xffff, v12  }
0x8b: {  	s21 =	sshll.u32 s7, $0x2;
	p0 =	seq.s32 s7, $0x0;
	s11 =	sshll.u32 s11, $0x3;
	[tilespmem:s10+$0x96D0] =	vst.add.f32.msk $0xffff, v13  }
0x8c: {  	s17 =	sadd.s32 s2, s11;
	s11 =	simm.s32 @!p0 $0x8;
	[tilespmem:s10+$0x96E0] =	vst.add.f32.msk $0xffff, v14;
	s10 =	sor.u32 $0x3, s21  }
0x8d: {  	[hbm4b:s17+s3] =	stream.linear.scatter [tilespmem:s14], [sflag:$0x5], $0x3200, $0x38;
	[tilespmem:$0x15E00] =	vst v63  }
0x8e: {  	s17 =	smul.u32 $0x320, s10;
	_ =	swait.ge @!p0 [sflag:s11], $0x3200  }
0x8f: {  	[sflag:s11] =	ssyncset.done @!p0 $0x0  }
0x90: {  	[sflag:s11] =	ssyncadd.s32 @!p0 $0xFFFFCE00;
	s11 =	sshra.s32 s17, $0x2  }
0x91: {  	[tilespmem:s25], [sflag:$0x4] =	stream.indirect.gather [hbm4b:s4+s13], $0x40, s11, s13, $0xb8;
	[tilespmem:$0x15E00] =	vst v63  }
0x92: {  	s17 =	sadd.s32 $0x28, s11  }
0x93: {  	[tilespmem:s26], [sflag:$0x4] =	stream.indirect.gather [hbm4b:s4+s13], $0x40, s17, s13, $0xb8;
	[tilespmem:$0x15E00] =	vst v63  }
0x94: {  	s6 =	sadd.s32 $0x50, s11  }
0x95: {  	[tilespmem:s28], [sflag:$0x4] =	stream.indirect.gather [hbm4b:s4+s13], $0x40, s6, s13, $0xb8;
	[tilespmem:$0x15E00] =	vst v63  }
0x96: {  	s21 =	sadd.s32 $0x78, s11  }
0x97: {  	[tilespmem:s29], [sflag:$0x4] =	stream.indirect.gather [hbm4b:s4+s13], $0x40, s21, s13, $0xb8;
	[tilespmem:$0x15E00] =	vst v63  }
0x98: {  	s11 =	sadd.s32 $0xA0, s11  }
0x99: {  	[tilespmem:s30], [sflag:$0x4] =	stream.indirect.gather [hbm4b:s4+s13], $0x40, s11, s13, $0xb8;
	[tilespmem:$0x15E00] =	vst v63  }
0x9a: {  	_ =	swait.ge [sflag:s31], $0x3200  }
0x9b: {  	[sflag:s31] =	ssyncset.done $0x0  }
0x9c: {  	s17 =	simm.s32 $0x0;
	s21 =	simm.s32 $0x400;
	[sflag:s31] =	ssyncadd.s32 $0xFFFFCE00  }
.LBB2_5:
0x9d: {  	p0 =	sne.s32 s21, $0xC400;
	v0 =	vld [tilespmem:s17+$0x64F0]  }
0x9e: {  	v1 =	vld [tilespmem:s17+$0x6400]  }
0x9f: {  	v2 =	vld [tilespmem:s17+$0x6410]  }
0xa0: {  	v3 =	vld [tilespmem:s17+$0x6420]  }
0xa1: {  	v4 =	vld [tilespmem:s17+$0x6430]  }
0xa2: {  	[tilespmem:s17+$0xC8F0] =	vst.add.f32.msk $0xffff, v0  }
0xa3: {  	v0 =	vld [tilespmem:s17+$0x6440]  }
0xa4: {  	v5 =	vld [tilespmem:s17+$0x6450]  }
0xa5: {  	v6 =	vld [tilespmem:s17+$0x6460]  }
0xa6: {  	v7 =	vld [tilespmem:s17+$0x6470]  }
0xa7: {  	v8 =	vld [tilespmem:s17+$0x6480]  }
0xa8: {  	v9 =	vld [tilespmem:s17+$0x6490]  }
0xa9: {  	v10 =	vld [tilespmem:s17+$0x64A0]  }
0xaa: {  	v11 =	vld [tilespmem:s17+$0x64B0]  }
0xab: {  	v12 =	vld [tilespmem:s17+$0x64C0]  }
0xac: {  	v13 =	vld [tilespmem:s17+$0x64D0]  }
0xad: {  	v14 =	vld [tilespmem:s17+$0x64E0]  }
0xae: {  	[tilespmem:s17+$0xC800] =	vst.add.f32.msk $0xffff, v1  }
0xaf: {  	[tilespmem:s17+$0xC810] =	vst.add.f32.msk $0xffff, v2  }
0xb0: {  	[tilespmem:s17+$0xC820] =	vst.add.f32.msk $0xffff, v3  }
0xb1: {  	[tilespmem:s17+$0xC830] =	vst.add.f32.msk $0xffff, v4  }
0xb2: {  	[tilespmem:s17+$0xC840] =	vst.add.f32.msk $0xffff, v0  }
0xb3: {  	[tilespmem:s17+$0xC850] =	vst.add.f32.msk $0xffff, v5  }
0xb4: {  	[tilespmem:s17+$0xC860] =	vst.add.f32.msk $0xffff, v6  }
0xb5: {  	[tilespmem:s17+$0xC870] =	vst.add.f32.msk $0xffff, v7  }
0xb6: {  	[tilespmem:s17+$0xC880] =	vst.add.f32.msk $0xffff, v8  }
0xb7: {  	[tilespmem:s17+$0xC890] =	vst.add.f32.msk $0xffff, v9  }
.Ltmp3:
0xb8: {  	[tilespmem:s17+$0xC8A0] =	vst.add.f32.msk $0xffff, v10;
	(pc) =	sbr.rel @p0 .LBB2_5-.Ltmp3, $4  }
0xb9: {  	[tilespmem:s17+$0xC8B0] =	vst.add.f32.msk $0xffff, v11  }
0xba: {  	[tilespmem:s17+$0xC8C0] =	vst.add.f32.msk $0xffff, v12  }
0xbb: {  	[tilespmem:s17+$0xC8D0] =	vst.add.f32.msk $0xffff, v13  }
0xbc: {  	[tilespmem:s17+$0xC8E0] =	vst.add.f32.msk $0xffff, v14;
	s17 =	sshra.s32 s21, $0x2;
	s21 =	sadd.s32 $0x400, s21  }
0xbd: {  	v0 =	vld [tilespmem:s17+$0x64F0]  }
0xbe: {  	v1 =	vld [tilespmem:s17+$0x6400]  }
0xbf: {  	v2 =	vld [tilespmem:s17+$0x6410]  }
0xc0: {  	v3 =	vld [tilespmem:s17+$0x6420]  }
0xc1: {  	v4 =	vld [tilespmem:s17+$0x6430]  }
0xc2: {  	v63 =	vld [tilespmem:s17+$0x6440]  }
0xc3: {  	v5 =	vld [tilespmem:s17+$0x6450]  }
0xc4: {  	v6 =	vld [tilespmem:s17+$0x6460]  }
0xc5: {  	v7 =	vld [tilespmem:s17+$0x6470]  }
0xc6: {  	v8 =	vld [tilespmem:s17+$0x6480]  }
0xc7: {  	v9 =	vld [tilespmem:s17+$0x6490]  }
0xc8: {  	v10 =	vld [tilespmem:s17+$0x64A0]  }
0xc9: {  	v11 =	vld [tilespmem:s17+$0x64B0]  }
0xca: {  	v12 =	vld [tilespmem:s17+$0x64C0]  }
0xcb: {  	v13 =	vld [tilespmem:s17+$0x64D0]  }
0xcc: {  	v14 =	vld [tilespmem:s17+$0x64E0]  }
0xcd: {  	[tilespmem:s17+$0xC8F0] =	vst.add.f32.msk $0xffff, v0  }
0xce: {  	[tilespmem:s17+$0xC800] =	vst.add.f32.msk $0xffff, v1  }
0xcf: {  	[tilespmem:s17+$0xC810] =	vst.add.f32.msk $0xffff, v2  }
0xd0: {  	[tilespmem:s17+$0xC820] =	vst.add.f32.msk $0xffff, v3  }
0xd1: {  	[tilespmem:s17+$0xC830] =	vst.add.f32.msk $0xffff, v4  }
0xd2: {  	[tilespmem:s17+$0xC840] =	vst.add.f32.msk $0xffff, v63  }
0xd3: {  	[tilespmem:s17+$0xC850] =	vst.add.f32.msk $0xffff, v5  }
0xd4: {  	[tilespmem:s17+$0xC860] =	vst.add.f32.msk $0xffff, v6  }
0xd5: {  	[tilespmem:s17+$0xC870] =	vst.add.f32.msk $0xffff, v7  }
0xd6: {  	[tilespmem:s17+$0xC880] =	vst.add.f32.msk $0xffff, v8  }
0xd7: {  	[tilespmem:s17+$0xC890] =	vst.add.f32.msk $0xffff, v9  }
0xd8: {  	[tilespmem:s17+$0xC8A0] =	vst.add.f32.msk $0xffff, v10  }
0xd9: {  	s11 =	sadd.s32 s15, s8;
	[tilespmem:s17+$0xC8B0] =	vst.add.f32.msk $0xffff, v11  }
0xda: {  	s11 =	sshll.u32 s11, $0x3;
	[tilespmem:s17+$0xC8C0] =	vst.add.f32.msk $0xffff, v12  }
0xdb: {  	s11 =	sand.u32 $0x1FFFFF40, s11;
	[tilespmem:s17+$0xC8D0] =	vst.add.f32.msk $0xffff, v13  }
0xdc: {  	p0 =	seq.s32 s7, $0x1F;
	s11 =	sadd.s32 s2, s11;
	[tilespmem:s17+$0xC8E0] =	vst.add.f32.msk $0xffff, v14  }
0xdd: {  	[hbm4b:s11+s3] =	stream.linear.scatter [tilespmem:s23], [sflag:$0x6], $0x3200, $0x38;
	[tilespmem:$0x15E00] =	vst v63  }
0xde: {  	s17 =	smul.u32 @!p0 $0xC80, s7;
	s11 =	simm.s32 @!p0 $0x5  }
0xdf: {  	_ =	swait.ge @!p0 [sflag:s11], $0x3200  }
0xe0: {  	s21 =	simm.s32 @!p0 $0x28;
	s17 =	sshra.s32 @!p0 s17, $0x2;
	[sflag:s11] =	ssyncset.done @!p0 $0x0  }
0xe1: {  	s6 =	simm.s32 @!p0 $0x9600;
	[sflag:s11] =	ssyncadd.s32 @!p0 $0xFFFFCE00;
	s11 =	sadd.s32 @!p0 $0x320, s17  }
0xe2: {  	[tilespmem:s6], [sflag:$0x1] =	stream.indirect.gather @!p0 [hbm4b:s4+s21], $0x40, s11, s21, $0xb8;
	[tilespmem:$0x15E00] =	vst v63  }
0xe3: {  	s6 =	sadd.s32 @!p0 $0x348, s17;
	s11 =	simm.s32 @!p0 $0xA000  }
0xe4: {  	[tilespmem:s11], [sflag:$0x1] =	stream.indirect.gather @!p0 [hbm4b:s4+s21], $0x40, s6, s21, $0xb8;
	[tilespmem:$0x15E00] =	vst v63  }
0xe5: {  	s6 =	sadd.s32 @!p0 $0x370, s17;
	s11 =	simm.s32 @!p0 $0xAA00  }
0xe6: {  	[tilespmem:s11], [sflag:$0x1] =	stream.indirect.gather @!p0 [hbm4b:s4+s21], $0x40, s6, s21, $0xb8;
	[tilespmem:$0x15E00] =	vst v63  }
0xe7: {  	s6 =	sadd.s32 @!p0 $0x398, s17;
	s11 =	simm.s32 @!p0 $0xB400  }
0xe8: {  	[tilespmem:s11], [sflag:$0x1] =	stream.indirect.gather @!p0 [hbm4b:s4+s21], $0x40, s6, s21, $0xb8;
	[tilespmem:$0x15E00] =	vst v63  }
0xe9: {  	s6 =	sadd.s32 @!p0 $0x3C0, s17;
	s11 =	simm.s32 @!p0 $0xBE00  }
0xea: {  	[tilespmem:s11], [sflag:$0x1] =	stream.indirect.gather @!p0 [hbm4b:s4+s21], $0x40, s6, s21, $0xb8;
	[tilespmem:$0x15E00] =	vst v63  }
0xeb: {  	_ =	swait.ge [sflag:s1], $0x3200  }
0xec: {  	[sflag:s1] =	ssyncset.done $0x0  }
0xed: {  	s21 =	simm.s32 $0x0;
	s11 =	simm.s32 $0x400;
	[sflag:s1] =	ssyncadd.s32 $0xFFFFCE00  }
.LBB2_7:
0xee: {  	p1 =	sne.s32 s11, $0xC400;
	v0 =	vld [tilespmem:s21+$0x64F0]  }
0xef: {  	v1 =	vld [tilespmem:s21+$0x6400]  }
0xf0: {  	v2 =	vld [tilespmem:s21+$0x6410]  }
0xf1: {  	v3 =	vld [tilespmem:s21+$0x6420]  }
0xf2: {  	v4 =	vld [tilespmem:s21+$0x6430]  }
0xf3: {  	[tilespmem:s21+$0xFAF0] =	vst.add.f32.msk $0xffff, v0  }
0xf4: {  	v0 =	vld [tilespmem:s21+$0x6440]  }
0xf5: {  	v5 =	vld [tilespmem:s21+$0x6450]  }
0xf6: {  	v6 =	vld [tilespmem:s21+$0x6460]  }
0xf7: {  	v7 =	vld [tilespmem:s21+$0x6470]  }
0xf8: {  	v8 =	vld [tilespmem:s21+$0x6480]  }
0xf9: {  	v9 =	vld [tilespmem:s21+$0x6490]  }
0xfa: {  	v10 =	vld [tilespmem:s21+$0x64A0]  }
0xfb: {  	v11 =	vld [tilespmem:s21+$0x64B0]  }
0xfc: {  	v12 =	vld [tilespmem:s21+$0x64C0]  }
0xfd: {  	v13 =	vld [tilespmem:s21+$0x64D0]  }
0xfe: {  	v14 =	vld [tilespmem:s21+$0x64E0]  }
0xff: {  	[tilespmem:s21+$0xFA00] =	vst.add.f32.msk $0xffff, v1  }
0x100: {  	[tilespmem:s21+$0xFA10] =	vst.add.f32.msk $0xffff, v2  }
0x101: {  	[tilespmem:s21+$0xFA20] =	vst.add.f32.msk $0xffff, v3  }
0x102: {  	[tilespmem:s21+$0xFA30] =	vst.add.f32.msk $0xffff, v4  }
0x103: {  	[tilespmem:s21+$0xFA40] =	vst.add.f32.msk $0xffff, v0  }
0x104: {  	[tilespmem:s21+$0xFA50] =	vst.add.f32.msk $0xffff, v5  }
0x105: {  	[tilespmem:s21+$0xFA60] =	vst.add.f32.msk $0xffff, v6  }
0x106: {  	[tilespmem:s21+$0xFA70] =	vst.add.f32.msk $0xffff, v7  }
0x107: {  	[tilespmem:s21+$0xFA80] =	vst.add.f32.msk $0xffff, v8  }
0x108: {  	[tilespmem:s21+$0xFA90] =	vst.add.f32.msk $0xffff, v9  }
.Ltmp4:
0x109: {  	[tilespmem:s21+$0xFAA0] =	vst.add.f32.msk $0xffff, v10;
	(pc) =	sbr.rel @p1 .LBB2_7-.Ltmp4, $4  }
0x10a: {  	[tilespmem:s21+$0xFAB0] =	vst.add.f32.msk $0xffff, v11  }
0x10b: {  	[tilespmem:s21+$0xFAC0] =	vst.add.f32.msk $0xffff, v12  }
0x10c: {  	[tilespmem:s21+$0xFAD0] =	vst.add.f32.msk $0xffff, v13  }
0x10d: {  	[tilespmem:s21+$0xFAE0] =	vst.add.f32.msk $0xffff, v14;
	s21 =	sshra.s32 s11, $0x2;
	s11 =	sadd.s32 $0x400, s11  }
0x10e: {  	v0 =	vld [tilespmem:s21+$0x64F0]  }
0x10f: {  	v1 =	vld [tilespmem:s21+$0x6400]  }
0x110: {  	v2 =	vld [tilespmem:s21+$0x6410]  }
0x111: {  	v3 =	vld [tilespmem:s21+$0x6420]  }
0x112: {  	v4 =	vld [tilespmem:s21+$0x6430]  }
0x113: {  	v63 =	vld [tilespmem:s21+$0x6440]  }
0x114: {  	v5 =	vld [tilespmem:s21+$0x6450]  }
0x115: {  	v6 =	vld [tilespmem:s21+$0x6460]  }
0x116: {  	v7 =	vld [tilespmem:s21+$0x6470]  }
0x117: {  	v8 =	vld [tilespmem:s21+$0x6480]  }
0x118: {  	v9 =	vld [tilespmem:s21+$0x6490]  }
0x119: {  	v10 =	vld [tilespmem:s21+$0x64A0]  }
0x11a: {  	v11 =	vld [tilespmem:s21+$0x64B0]  }
0x11b: {  	v12 =	vld [tilespmem:s21+$0x64C0]  }
0x11c: {  	v13 =	vld [tilespmem:s21+$0x64D0]  }
0x11d: {  	v14 =	vld [tilespmem:s21+$0x64E0]  }
0x11e: {  	[tilespmem:s21+$0xFAF0] =	vst.add.f32.msk $0xffff, v0  }
0x11f: {  	[tilespmem:s21+$0xFA00] =	vst.add.f32.msk $0xffff, v1  }
0x120: {  	[tilespmem:s21+$0xFA10] =	vst.add.f32.msk $0xffff, v2  }
0x121: {  	[tilespmem:s21+$0xFA20] =	vst.add.f32.msk $0xffff, v3  }
0x122: {  	[tilespmem:s21+$0xFA30] =	vst.add.f32.msk $0xffff, v4  }
0x123: {  	[tilespmem:s21+$0xFA40] =	vst.add.f32.msk $0xffff, v63  }
0x124: {  	[tilespmem:s21+$0xFA50] =	vst.add.f32.msk $0xffff, v5  }
0x125: {  	[tilespmem:s21+$0xFA60] =	vst.add.f32.msk $0xffff, v6  }
0x126: {  	[tilespmem:s21+$0xFA70] =	vst.add.f32.msk $0xffff, v7  }
0x127: {  	[tilespmem:s21+$0xFA80] =	vst.add.f32.msk $0xffff, v8  }
0x128: {  	[tilespmem:s21+$0xFA90] =	vst.add.f32.msk $0xffff, v9  }
0x129: {  	[tilespmem:s21+$0xFAA0] =	vst.add.f32.msk $0xffff, v10  }
0x12a: {  	s6 =	sadd.s32 s15, s9;
	[tilespmem:s21+$0xFAB0] =	vst.add.f32.msk $0xffff, v11  }
0x12b: {  	s6 =	sshll.u32 s6, $0x3;
	[tilespmem:s21+$0xFAC0] =	vst.add.f32.msk $0xffff, v12  }
0x12c: {  	s6 =	sand.u32 $0x1FFFFF80, s6;
	[tilespmem:s21+$0xFAD0] =	vst.add.f32.msk $0xffff, v13  }
0x12d: {  	s6 =	sadd.s32 s2, s6;
	[tilespmem:s21+$0xFAE0] =	vst.add.f32.msk $0xffff, v14  }
0x12e: {  	[hbm4b:s6+s3] =	stream.linear.scatter [tilespmem:s12], [sflag:$0x7], $0x3200, $0x38;
	[tilespmem:$0x15E00] =	vst v63  }
0x12f: {  	s6 =	simm.s32 @!p0 $0x6  }
0x130: {  	_ =	swait.ge @!p0 [sflag:s6], $0x3200  }
0x131: {  	s11 =	simm.s32 @!p0 $0x28;
	[sflag:s6] =	ssyncset.done @!p0 $0x0  }
0x132: {  	s15 =	simm.s32 @!p0 $0xC800;
	[sflag:s6] =	ssyncadd.s32 @!p0 $0xFFFFCE00;
	s6 =	sadd.s32 @!p0 $0x3E8, s17  }
0x133: {  	[tilespmem:s15], [sflag:$0x2] =	stream.indirect.gather @!p0 [hbm4b:s4+s11], $0x40, s6, s11, $0xb8;
	[tilespmem:$0x15E00] =	vst v63  }
0x134: {  	s6 =	sadd.s32 @!p0 $0x410, s17;
	s15 =	simm.s32 @!p0 $0xD200  }
0x135: {  	[tilespmem:s15], [sflag:$0x2] =	stream.indirect.gather @!p0 [hbm4b:s4+s11], $0x40, s6, s11, $0xb8;
	[tilespmem:$0x15E00] =	vst v63  }
0x136: {  	s6 =	sadd.s32 @!p0 $0x438, s17;
	s15 =	simm.s32 @!p0 $0xDC00  }
0x137: {  	[tilespmem:s15], [sflag:$0x2] =	stream.indirect.gather @!p0 [hbm4b:s4+s11], $0x40, s6, s11, $0xb8;
	[tilespmem:$0x15E00] =	vst v63  }
0x138: {  	s6 =	sadd.s32 @!p0 $0x460, s17;
	s15 =	simm.s32 @!p0 $0xE600  }
0x139: {  	[tilespmem:s15], [sflag:$0x2] =	stream.indirect.gather @!p0 [hbm4b:s4+s11], $0x40, s6, s11, $0xb8;
	[tilespmem:$0x15E00] =	vst v63  }
0x13a: {  	s6 =	sadd.s32 @!p0 $0x488, s17;
	s15 =	simm.s32 @!p0 $0xF000  }
0x13b: {  	[tilespmem:s15], [sflag:$0x2] =	stream.indirect.gather @!p0 [hbm4b:s4+s11], $0x40, s6, s11, $0xb8;
	[tilespmem:$0x15E00] =	vst v63  }
0x13c: {  	_ =	swait.ge [sflag:s0], $0x3200  }
0x13d: {  	[sflag:s0] =	ssyncset.done $0x0  }
0x13e: {  	s15 =	simm.s32 $0x0;
	s11 =	simm.s32 $0x400;
	[sflag:s0] =	ssyncadd.s32 $0xFFFFCE00  }
.LBB2_9:
0x13f: {  	p1 =	sne.s32 s11, $0xC400;
	v0 =	vld [tilespmem:s15+$0x64F0]  }
0x140: {  	v1 =	vld [tilespmem:s15+$0x6400]  }
0x141: {  	v2 =	vld [tilespmem:s15+$0x6410]  }
0x142: {  	v3 =	vld [tilespmem:s15+$0x6420]  }
0x143: {  	v4 =	vld [tilespmem:s15+$0x6430]  }
0x144: {  	[tilespmem:s15+$0x12CF0] =	vst.add.f32.msk $0xffff, v0  }
0x145: {  	v0 =	vld [tilespmem:s15+$0x6440]  }
0x146: {  	v5 =	vld [tilespmem:s15+$0x6450]  }
0x147: {  	v6 =	vld [tilespmem:s15+$0x6460]  }
0x148: {  	v7 =	vld [tilespmem:s15+$0x6470]  }
0x149: {  	v8 =	vld [tilespmem:s15+$0x6480]  }
0x14a: {  	v9 =	vld [tilespmem:s15+$0x6490]  }
0x14b: {  	v10 =	vld [tilespmem:s15+$0x64A0]  }
0x14c: {  	v11 =	vld [tilespmem:s15+$0x64B0]  }
0x14d: {  	v12 =	vld [tilespmem:s15+$0x64C0]  }
0x14e: {  	v13 =	vld [tilespmem:s15+$0x64D0]  }
0x14f: {  	v14 =	vld [tilespmem:s15+$0x64E0]  }
0x150: {  	[tilespmem:s15+$0x12C00] =	vst.add.f32.msk $0xffff, v1  }
0x151: {  	[tilespmem:s15+$0x12C10] =	vst.add.f32.msk $0xffff, v2  }
0x152: {  	[tilespmem:s15+$0x12C20] =	vst.add.f32.msk $0xffff, v3  }
0x153: {  	[tilespmem:s15+$0x12C30] =	vst.add.f32.msk $0xffff, v4  }
0x154: {  	[tilespmem:s15+$0x12C40] =	vst.add.f32.msk $0xffff, v0  }
0x155: {  	[tilespmem:s15+$0x12C50] =	vst.add.f32.msk $0xffff, v5  }
0x156: {  	[tilespmem:s15+$0x12C60] =	vst.add.f32.msk $0xffff, v6  }
0x157: {  	[tilespmem:s15+$0x12C70] =	vst.add.f32.msk $0xffff, v7  }
0x158: {  	[tilespmem:s15+$0x12C80] =	vst.add.f32.msk $0xffff, v8  }
0x159: {  	[tilespmem:s15+$0x12C90] =	vst.add.f32.msk $0xffff, v9  }
.Ltmp5:
0x15a: {  	[tilespmem:s15+$0x12CA0] =	vst.add.f32.msk $0xffff, v10;
	(pc) =	sbr.rel @p1 .LBB2_9-.Ltmp5, $4  }
0x15b: {  	[tilespmem:s15+$0x12CB0] =	vst.add.f32.msk $0xffff, v11  }
0x15c: {  	[tilespmem:s15+$0x12CC0] =	vst.add.f32.msk $0xffff, v12  }
0x15d: {  	[tilespmem:s15+$0x12CD0] =	vst.add.f32.msk $0xffff, v13  }
0x15e: {  	[tilespmem:s15+$0x12CE0] =	vst.add.f32.msk $0xffff, v14;
	s15 =	sshra.s32 s11, $0x2;
	s11 =	sadd.s32 $0x400, s11  }
0x15f: {  	v0 =	vld [tilespmem:s15+$0x64F0]  }
0x160: {  	v1 =	vld [tilespmem:s15+$0x6400]  }
0x161: {  	v2 =	vld [tilespmem:s15+$0x6410]  }
0x162: {  	v3 =	vld [tilespmem:s15+$0x6420]  }
0x163: {  	v4 =	vld [tilespmem:s15+$0x6430]  }
0x164: {  	v63 =	vld [tilespmem:s15+$0x6440]  }
0x165: {  	v5 =	vld [tilespmem:s15+$0x6450]  }
0x166: {  	v6 =	vld [tilespmem:s15+$0x6460]  }
0x167: {  	v7 =	vld [tilespmem:s15+$0x6470]  }
0x168: {  	v8 =	vld [tilespmem:s15+$0x6480]  }
0x169: {  	v9 =	vld [tilespmem:s15+$0x6490]  }
0x16a: {  	v10 =	vld [tilespmem:s15+$0x64A0]  }
0x16b: {  	v11 =	vld [tilespmem:s15+$0x64B0]  }
0x16c: {  	v12 =	vld [tilespmem:s15+$0x64C0]  }
0x16d: {  	v13 =	vld [tilespmem:s15+$0x64D0]  }
0x16e: {  	v14 =	vld [tilespmem:s15+$0x64E0]  }
0x16f: {  	[tilespmem:s15+$0x12CF0] =	vst.add.f32.msk $0xffff, v0  }
0x170: {  	[tilespmem:s15+$0x12C00] =	vst.add.f32.msk $0xffff, v1  }
0x171: {  	[tilespmem:s15+$0x12C10] =	vst.add.f32.msk $0xffff, v2  }
0x172: {  	[tilespmem:s15+$0x12C20] =	vst.add.f32.msk $0xffff, v3  }
0x173: {  	[tilespmem:s15+$0x12C30] =	vst.add.f32.msk $0xffff, v4  }
0x174: {  	[tilespmem:s15+$0x12C40] =	vst.add.f32.msk $0xffff, v63  }
0x175: {  	[tilespmem:s15+$0x12C50] =	vst.add.f32.msk $0xffff, v5  }
0x176: {  	[tilespmem:s15+$0x12C60] =	vst.add.f32.msk $0xffff, v6  }
0x177: {  	[tilespmem:s15+$0x12C70] =	vst.add.f32.msk $0xffff, v7  }
0x178: {  	[tilespmem:s15+$0x12C80] =	vst.add.f32.msk $0xffff, v8  }
0x179: {  	s6 =	smul.u32 $0xC8, s10;
	[tilespmem:s15+$0x12C90] =	vst.add.f32.msk $0xffff, v9  }
0x17a: {  	[tilespmem:s15+$0x12CA0] =	vst.add.f32.msk $0xffff, v10  }
.Ltmp6:
0x17b: {  	s6 =	sadd.s32 s5, s6;
	[tilespmem:s15+$0x12CB0] =	vst.add.f32.msk $0xffff, v11;
	(pc) =	sbr.rel @p0 .LBB2_12-.Ltmp6, $4  }
0x17c: {  	s6 =	sshll.u32 s6, $0x3;
	[tilespmem:s15+$0x12CC0] =	vst.add.f32.msk $0xffff, v12  }
0x17d: {  	s6 =	sand.u32 $0x1FFFFFC0, s6;
	[tilespmem:s15+$0x12CD0] =	vst.add.f32.msk $0xffff, v13  }
0x17e: {  	[tilespmem:s15+$0x12CE0] =	vst.add.f32.msk $0xffff, v14;
	s6 =	sadd.s32 s2, s6  }
0x17f: {  	[hbm4b:s6+s3] =	stream.linear.scatter [tilespmem:s25], [sflag:$0x8], $0x3200, $0x38;
	[tilespmem:$0x15E00] =	vst v63  }
0x180: {  	s6 =	smul.u32 $0xC80, s7  }
0x181: {  	_ =	swait.ge [sflag:s19], $0x3200  }
0x182: {  	[sflag:s19] =	ssyncset.done $0x0;
	s6 =	sshra.s32 s6, $0x2  }
0x183: {  	[sflag:s19] =	ssyncadd.s32 $0xFFFFCE00;
	s10 =	sadd.s32 $0x4B0, s6  }
0x184: {  	[tilespmem:s12], [sflag:$0x3] =	stream.indirect.gather [hbm4b:s4+s13], $0x40, s10, s13, $0xb8;
	[tilespmem:$0x15E00] =	vst v63  }
0x185: {  	s15 =	sadd.s32 $0x4D8, s6  }
0x186: {  	[tilespmem:s16], [sflag:$0x3] =	stream.indirect.gather [hbm4b:s4+s13], $0x40, s15, s13, $0xb8;
	[tilespmem:$0x15E00] =	vst v63  }
0x187: {  	s17 =	sadd.s32 $0x500, s6  }
0x188: {  	[tilespmem:s18], [sflag:$0x3] =	stream.indirect.gather [hbm4b:s4+s13], $0x40, s17, s13, $0xb8;
	[tilespmem:$0x15E00] =	vst v63  }
.Ltmp7:
0x189: {  	_ = 	snop;
	(pc) =	sbr.rel .LBB2_2-.Ltmp7, $4  }
0x18a: {  	s21 =	sadd.s32 $0x528, s6  }
0x18b: {  	[tilespmem:s20], [sflag:$0x3] =	stream.indirect.gather [hbm4b:s4+s13], $0x40, s21, s13, $0xb8;
	[tilespmem:$0x15E00] =	vst v63  }
0x18c: {  	s7 =	sadd.s32 $0x1, s7;
	s6 =	sadd.s32 $0x550, s6  }
0x18d: {  	[tilespmem:s22], [sflag:$0x3] =	stream.indirect.gather [hbm4b:s4+s13], $0x40, s6, s13, $0xb8;
	[tilespmem:$0x15E00] =	vst v63  }
.LBB2_13:
0x18e: {  	_ =	sfence.sel $0x180000  }
0x18f: {  	[bflag:$0x0] =	sbarrier.arrive $0xFFFF  }
0x190: {  	_ =	strace $0x90000047  }
0x191: {  	s0 =	stileid.u32;
	[bflag:$0x2] =	sbarrier.arrive $0xFFFF  }
0x192: {  	p0 =	sne.s32 s0, $0x0;
	s0 =	rddreg [dreg:$0x2]  }
0x193: {  	s0 =	sadd.s32 @!p0 $0x100000, s0  }
0x194: {  	[sflag:s0] =	ssyncadd.tile.s32 @!p0 $0x1;
	_ =	shalt  }
.Lfunc_end2:
_tile_overlayer_lowered:
.L_overlay_start_2:
0x195: {  	(tag) =	ssettag $0x2  }
0x196: {  	s0 =	rddreg [dreg:$0x0];
	s2 =	stileid.u32  }
0x197: {  	s1 =	rddreg [dreg:$0x1];
	p0 =	sne.s32 s2, $0x0  }
0x198: {  	s3 =	rddreg [dreg:$0x2];
	[bflag:$0x3] =	sbarrier.arrive $0xFFFF;
	s2 =	simm.s32 @!p0 $0x1C09  }
0x199: {  	[timem:s3], [sflag:s2] =	dma.local @!p0 [hbm:s0], s1  }
0x19a: {  	s0 =	simm.s32 @!p0 $0x9  }
0x19b: {  	_ =	swait.ge @!p0 [sflag:s0], s1  }
0x19c: {  	s1 =	ssub.s32 @!p0 $0x0, s1;
	[sflag:s0] =	ssyncset.done @!p0 $0x0  }
0x19d: {  	[sflag:s0] =	ssyncadd.s32 @!p0 s1  }
0x19e: {  	[bflag:$0x3] =	sbarrier.arrive $0xFFFF  }
0x19f: {  	_ =	shalt  }

// kernel: sparse-core-data-format-call.cloned.1.call-start
scs
called_computation_lowered:
.L_overlay_start_0:
0x0: {  	s2 =	sld [smem:$0x3FD9]  }
0x1: {  	s3 =	sld [smem:$0x3FFE];
	_ =	sdelay $0x1  }
0x2: {  	s1 =	srdreg.scid  }
0x3: {  	s0 =	sand.u32 $0x1, s1  }
0x4: {  	s18 =	sshll.u32 s0, $0xA;
	s2 =	sadd.s32 s3, s2  }
0x5: {  	s2 =	sadd.s32 s2, s18  }
0x6: {  	[smem:$0x3FC5] =	sst s2  }
0x7: {  	_ = 	snop  }
0x8: {  	s2 =	sld [smem:$0x3FD0];
	(tm) =	ssettm $0x1  }
0x9: {  	s19 =	sld [smem:$0x3FFB];
	_ =	sdelay $0x3  }
0xa: {  	_ =	strace s19  }
0xb: {  	s3 =	sld [smem:$0x3FFC];
	_ =	sdelay $0x3  }
0xc: {  	_ =	strace s3  }
0xd: {  	s3 =	sld [smem:$0x3FFD];
	_ =	sdelay $0x3  }
0xe: {  	_ =	strace s3  }
0xf: {  	_ =	strace $0x8FFFFFFF  }
0x10: {  	s20 =	sld [smem:$0x3FDB];
	_ =	sdelay $0x1  }
0x11: {  	s4 =	simm.s32 $_scs_section_size  }
0x12: {  	s5 =	simm.s32 $_size__tile_overlayer_lowered;
	s6 =	simm.s32 $_tile_overlayer_lowered  }
0x13: {  	s23 =	simm.s32 $0x1BFF;
	s22 =	sshll.u32 s6, $0x1;
	s3 =	sadd.s32 s4, s20  }
0x14: {  	s7 =	simm.s32 $0x0;
	s21 =	sshll.u32 s5, $0x1;
	s5 =	sadd.s32 s22, s3  }
0x15: {  	[timem:s7], [sflag:s23] =	dma.local [hbm:s5], s21  }
0x16: {  	_ =	swait.ge [sflag:s23], s21  }
0x17: {  	s4 =	ssub.s32 $0x0, s21;
	[sflag:s23] =	ssyncset.done $0x0  }
0x18: {  	[sflag:s23] =	ssyncadd.s32 s4;
	_ =	sdelay $0x1  }
0x19: {  	s24 =	simm.s32 $0x1B8B  }
0x1a: {  	_ =	swait.ge [sflag:s24], $0x1  }
0x1b: {  	[sflag:s24] =	ssyncset.done $0x0  }
0x1c: {  	s26 =	simm.s32 $0x1B8E;
	s25 =	sld [smem:$0x3FFE];
	[sflag:s24] =	ssyncadd.s32 $0xFFFFFFFF  }
0x1d: {  	s27 =	simm.s32 $execute0_lowered;
	[smem:$0x3FD2] =	sst s26  }
0x1e: {  	s5 =	sshll.u32 s27, $0x1;
	_ =	strace $0x80000049;
	[dreg:$0x1] =	wrdreg $0xFFFFFFFF  }
0x1f: {  	s28 =	simm.s32 $_size_execute0_lowered;
	s3 =	sadd.s32 s3, s5;
	[dreg:$0x0] =	wrdreg $0x0  }
0x20: {  	s5 =	sshll.u32 s28, $0x1;
	[dreg:$0x2] =	wrdreg s3  }
0x21: {  	[dreg:$0x3] =	wrdreg s5  }
0x22: {  	[dreg:$0x4] =	wrdreg $0xC0  }
0x23: {  	_ =	task [dreg:s7], $0x5FFFF  }
0x24: {  	[dreg:$0x1] =	wrdreg $0xFFFFFFFF  }
0x25: {  	[dreg:$0x0] =	wrdreg $0x60  }
0x26: {  	[dreg:$0x2] =	wrdreg s25  }
0x27: {  	[dreg:$0x3] =	wrdreg s2  }
0x28: {  	[dreg:$0x4] =	wrdreg $0x9  }
0x29: {  	_ =	task.clear_ibuf [dreg:s7], $0x5FFFF;
	_ =	strace $0x90000049  }
0x2a: {  	s29 =	simm.s32 $0x9;
	_ =	strace $0x8000004B  }
0x2b: {  	_ =	swait.ge [sflag:s29], $0x1  }
0x2c: {  	[sflag:s29] =	ssyncadd.s32 $0xFFFFFFFF  }
0x2d: {  	_ =	strace $0x9000004B  }
0x2e: {  	_ =	sfence  }
0x2f: {  	s30 =	sld [smem:$0x0];
	_ =	sdelay $0x2  }
0x30: {  	s31 =	sshll.u32 s1, $0xD;
	s1 =	sshrl.u32 s1, $0x2  }
0x31: {  	s3 =	sand.u32 $0x4000, s31;
	s1 =	sadd.s32 s1, s30  }
0x32: {  	s0 =	sor.u32 s3, s0;
	s1 =	sshll.u32 s1, $0x11  }
0x33: {  	s0 =	sor.u32 s1, s0  }
0x34: {  	s0 =	sadd.s32 $0x8F2B, s0  }
0x35: {  	[sflag:s0] =	ssyncadd.remote.s32 $0x1  }
0x36: {  	_ =	sfence.sel $0xFFFF  }
0x37: {  	[dreg:$0x0] =	wrdreg $0xFFFFFFFF;
	(pc) =	sbr.abs _section_cstart, $3  }
0x38: {  	[dreg:$0x1] =	wrdreg $0xFFFFFFFF  }
0x39: {  	_ =	task.clear_ibuf [dreg:s7], $0x2FFFF;
	_ =	strace $0x9FFFFFFF  }
0x3a: {  	(tm) =	ssettm $0x7FFFFFFF  }
0x3b: {  	_ =	shalt  }
tec
execute0_lowered:
.L_overlay_start_1:
0x0: {  	(tag) =	ssettag $0x1  }
0x1: {  	s0 =	srdreg.scid  }
0x2: {  	s1 =	sshll.u32 s0, $0x4  }
0x3: {  	s0 =	stileid.u32;
	s1 =	sand.u32 $0x10, s1  }
0x4: {  	s1 =	sor.u32 s0, s1  }
0x5: {  	s6 =	rddreg [dreg:$0x0];
	s4 =	simm.s32 $0x1;
	s2 =	sshll.u32 s1, $0x7  }
0x6: {  	s7 =	simm.s32 $0x2;
	s12 =	simm.s32 $0x0;
	s1 =	ssub.s32 $0x1000, s2  }
0x7: {  	s8 =	simm.s32 $0x8000;
	s13 =	simm.s32 $0x0;
	s3 =	sand.u32 $0xF80, s1  }
0x8: {  	s9 =	simm.s32 $0x0;
	s5 =	sshrl.u32 s1, $0xC;
	p0 =	sne.s32 s3, $0x0  }
.Ltmp0:
0x9: {  	s1 =	rddreg [dreg:$0x2];
	s4 =	simm.s32 @!p0 $0x0;
	(pc) =	sbr.rel .LBB1_1-.Ltmp0, $4  }
0xa: {  	s11 =	simm.s32 $0x0;
	s3 =	rddreg [dreg:$0x1];
	s5 =	sadd.s32 s4, s5  }
0xb: {  	_ =	strace $0x8000004A;
	s4 =	simm.s32 $0x1;
	s5 =	smul.u32 $0xC8, s5  }
0xc: {  	s6 =	sadd.s32 $0xC00, s6;
	s10 =	smov.u32 s2;
	[sflag:s4] =	ssyncpa.u1 $0x0  }
0xd: {  	p0 =	por $0x0, $0x0;
	[sflag:s7] =	ssyncpa.u1 $0x0;
	s7 =	sor.u32 $0x1, s5  }
.LBB1_4:
0xe: {  	s16 =	sshll.u32 s13, $0x3;
	s17 =	sand.u32 $0x78, s13  }
0xf: {  	s30 =	sand.u32 $0x7E00, s13;
	s12 =	sshll.u32 s12, $0xF;
	s16 =	sand.u32 $0xC00, s16  }
0x10: {  	[tilespmem:s15+$0x810 ss:$0x81] =	vst.msk $0xffff, v2;
	s31 =	sand.u32 $0x7, s13;
	s16 =	sor.u32 s17, s16;
	s17 =	sadd.s32 s3, s30  }
0x11: {  	[tilespmem:s15+$0x1020 ss:$0x81] =	vst.msk $0xffff, v0;
	s13 =	sshll.u32 s31, $0x12;
	s12 =	sadd.s32 s12, s17;
	s16 =	sshrl.u32 s16, $0x3  }
0x12: {  	[tilespmem:s15+$0x0 ss:$0x81] =	vst.msk $0xffff, v1;
	s13 =	sor.u32 $0x400, s13;
	s12 =	sadd.s32 s16, s12  }
0x13: {  	[hbm4b:s12+s13] =	stream.strided.scatter [tilespmem:s14], [sflag:$0x2], $0x2000, s8, s13, $0x20;
	[tilespmem:$0x8080] =	vst v63  }
.LBB1_5:
0x14: {  	s14 =	sadd.s32 $0x1, s9  }
0x15: {  	s12 =	sadd.s32 $0x1000, s10;
	s16 =	smov.u32 s10;
	p2 =	sgt.s32 s14, $0xC7  }
0x16: {  	s16 =	smov.u32 @p2 s12  }
0x17: {  	s14 =	simm.s32 @p2 $0x0;
	p2 =	sgt.s32 s16, $0xFFF  }
0x18: {  	s16 =	smov.u32 @p2 s2;
	p2 =	sne.s32 s11, s7  }
.Ltmp1:
0x19: {  	p1 =	slt.u32 s11, $0x2;
	(pc) =	sbr.rel @!p2 .LBB1_6-.Ltmp1, $4  }
0x1a: {  	s15 =	simm.s32 @!p1 $0x2  }
0x1b: {  	s13 =	smov.u32 s10;
	p0 =	por !p0, !p0;
	_ =	swait.ge @!p1 [sflag:s15], $0x2000  }
0x1c: {  	s12 =	smov.u32 s9;
	[sflag:s15] =	ssyncset.done @!p1 $0x0;
	s9 =	smov.u32 s14  }
0x1d: {  	s11 =	sadd.s32 $0x1, s11;
	[sflag:s15] =	ssyncadd.s32 @!p1 $0xFFFFE000;
	s10 =	smov.u32 s16  }
.LBB1_1:
0x1e: {  	p1 =	sge.u32 s11, s5  }
0x1f: {  	s14 =	sand.u32 @!p1 $0x1FFFFFF, s9  }
0x20: {  	s15 =	smulhi.u32 @!p1 $0x147AE15, s14;
	_ =	sdelay $0x1  }
0x21: {  	s15 =	smul.u32 @!p1 $0xC8, s15  }
0x22: {  	s16 =	sxor.u32 @!p1 $0xFFFFFFFF, s11;
	s17 =	smul.u32 @!p1 $0xC80, s10  }
0x23: {  	s31 =	sadd.s32 $0xFFFFFFFF, s11;
	s16 =	sshll.u32 @!p1 s16, $0xD;
	s14 =	ssub.s32 @!p1 s14, s15  }
0x24: {  	s15 =	sand.u32 @!p1 $0x2000, s16;
	s16 =	sadd.s32 @!p1 s6, s17;
	s14 =	sshll.u32 @!p1 s14, $0x4  }
0x25: {  	s17 =	simm.s32 @!p1 $0x6400;
	s14 =	sadd.s32 @!p1 s14, s16;
	s16 =	simm.s32 @!p1 $0x40  }
0x26: {  	[tilespmem:s15], [sflag:$0x1] =	stream.strided.gather @!p1 [hbm4b:s14+s16], $0x2000, s17, s16, $0x38;
	[tilespmem:$0x8080] =	vst v63  }
0x27: {  	p1 =	sge.u32 s31, s5  }
.Ltmp2:
0x28: {  	_ = 	snop;
	(pc) =	sbr.rel @p1 .LBB1_5-.Ltmp2, $1  }
0x29: {  	_ =	sdelay $0x3  }
0x2a: {  	s14 =	simm.s32 $0x1  }
0x2b: {  	_ =	swait.ge [sflag:s4], $0x2000;
	s14 =	simm.s32 @!p0 $0x0  }
0x2c: {  	[sflag:s4] =	ssyncset.done $0x0;
	s15 =	sshll.u32 s14, $0xD  }
0x2d: {  	[sflag:s4] =	ssyncadd.s32 $0xFFFFE000;
	s18 =	sor.u32 $0x20, s15  }
0x2e: {  	s14 =	smul.u32 $0x8100, s14;
	v3 =	vld [tilespmem:s18+$0x10]  }
0x2f: {  	s30 =	sand.u32 $0x1, s11;
	v2 =	vld [tilespmem:s18+$0xFFFFFFF0]  }
0x30: {  	s15 =	smul.u32 $0x8100, s30;
	s14 =	sshrl.u32 s14, $0x2;
	v0 =	vld [tilespmem:s18+$0x0]  }
0x31: {  	v1 =	vld [tilespmem:s18+$0xFFFFFFE0];
	s16 =	sor.u32 $0x4000, s14  }
0x32: {  	s31 =	sshrl.u32 s15, $0x2;
	s15 =	sadd.s32 $0x0, s16  }
0x33: {  	s17 =	simm.s32 $0x4;
	s18 =	sadd.s32 $0x40, s18;
	s14 =	sor.u32 $0x4000, s31;
	[tilespmem:s15+$0x1830 ss:$0x81] =	vst.msk $0xffff, v3  }
.LBB1_3:
0x34: {  	v3 =	vld [tilespmem:s18+$0x10];
	p1 =	sne.s32 s17, $0x1FC;
	[tilespmem:s15+$0x810 ss:$0x81] =	vst.msk $0xffff, v2;
	s19 =	smov.u32 s17;
	s17 =	sadd.s32 $0x4, s17  }
.Ltmp3:
0x35: {  	v2 =	vld [tilespmem:s18+$0xFFFFFFF0];
	[tilespmem:s15+$0x1020 ss:$0x81] =	vst.msk $0xffff, v0;
	(pc) =	sbr.rel @p1 .LBB1_3-.Ltmp3, $4  }
0x36: {  	v0 =	vld [tilespmem:s18+$0x0];
	[tilespmem:s15+$0x0 ss:$0x81] =	vst.msk $0xffff, v1  }
0x37: {  	s15 =	sshra.s32 s19, $0x2;
	v1 =	vld [tilespmem:s18+$0xFFFFFFE0]  }
0x38: {  	s15 =	sadd.s32 s15, s16  }
0x39: {  	s18 =	sadd.s32 $0x40, s18;
	[tilespmem:s15+$0x1830 ss:$0x81] =	vst.msk $0xffff, v3  }
.Ltmp4:
0x3a: {  	_ = 	snop;
	(pc) =	sbr.rel .LBB1_4-.Ltmp4, $1  }
0x3b: {  	_ =	sdelay $0x3  }
.LBB1_6:
0x3c: {  	_ =	sfence.sel $0x180000  }
0x3d: {  	s2 =	simm.s32 $0x1;
	[bflag:$0x0] =	sbarrier.arrive $0xFFFF  }
0x3e: {  	s31 =	simm.s32 $0x2;
	[sflag:s2] =	ssyncpa.u1 $0x1  }
0x3f: {  	[sflag:s31] =	ssyncpa.u1 $0x1  }
0x40: {  	p0 =	sne.s32 s0, $0x0;
	_ =	strace $0x9000004A  }
0x41: {  	s0 =	sadd.s32 @!p0 $0x100000, s1;
	[bflag:$0x2] =	sbarrier.arrive $0xFFFF  }
0x42: {  	[sflag:s0] =	ssyncadd.tile.s32 @!p0 $0x1;
	_ =	shalt  }
.Lfunc_end1:
_tile_overlayer_lowered:
.L_overlay_start_2:
0x43: {  	(tag) =	ssettag $0x2  }
0x44: {  	s0 =	rddreg [dreg:$0x0];
	s2 =	stileid.u32  }
0x45: {  	s1 =	rddreg [dreg:$0x1];
	p0 =	sne.s32 s2, $0x0  }
0x46: {  	s3 =	rddreg [dreg:$0x2];
	[bflag:$0x3] =	sbarrier.arrive $0xFFFF;
	s2 =	simm.s32 @!p0 $0x1C01  }
0x47: {  	[timem:s3], [sflag:s2] =	dma.local @!p0 [hbm:s0], s1  }
0x48: {  	s0 =	simm.s32 @!p0 $0x1  }
0x49: {  	_ =	swait.ge @!p0 [sflag:s0], s1  }
0x4a: {  	s1 =	ssub.s32 @!p0 $0x0, s1;
	[sflag:s0] =	ssyncset.done @!p0 $0x0  }
0x4b: {  	[sflag:s0] =	ssyncadd.s32 @!p0 s1  }
0x4c: {  	[bflag:$0x3] =	sbarrier.arrive $0xFFFF  }
0x4d: {  	_ =	shalt  }

</sc_bundles>
